<compile_context>
chip_gen: v7x
topology: tpu7x:2x2x1
jax: 0.10.2.dev20260603
libtpu: 0.0.44.dev20260713+nightly
codegen_flags: <defaults>
</compile_context>

<pallas_src>
import functools
import jax
import jax.numpy as jnp
import numpy as np
from jax import lax
from jax.experimental import pallas as pl
from jax.experimental.pallas import tpu as pltpu
from jax.experimental.pallas import tpu_sc as plsc

C = 768
K = 9
N = 3136
B = 2
ROWS = 392


def _conv2d(x, W, b=None, stride=1, pad=0):
    out = jax.lax.conv_general_dilated(
        x, W, (stride, stride), ((pad, pad), (pad, pad)),
        dimension_numbers=('NCHW', 'OIHW', 'NCHW'))
    if b is not None:
        out = out + b[None, :, None, None]
    return out


def _bn_nchw(x, g, b, eps=1e-5):
    m = jnp.mean(x, axis=(0, 2, 3), keepdims=True)
    v = jnp.var(x, axis=(0, 2, 3), keepdims=True)
    return (x - m) / jnp.sqrt(v + eps) * g[None, :, None, None] + b[None, :, None, None]



def _knn_body(f_rows_ref, f_full_ref, sq_full_ref, idx_ref):
    frf = f_rows_ref[0]
    fr = frf.astype(jnp.bfloat16)
    ff = f_full_ref[0].astype(jnp.bfloat16)
    sqr = jnp.sum(frf * frf, axis=1, keepdims=True)
    sqf = sq_full_ref[0, 0]
    dot = jax.lax.dot_general(fr, ff, (((1,), (1,)), ((), ())),
                              preferred_element_type=jnp.float32)
    s = sqr + sqf[None, :] - 2.0 * dot
    cols = jax.lax.broadcasted_iota(jnp.int32, s.shape, 1)
    picks = []
    for _ in range(K):
        m = jnp.min(s, axis=1, keepdims=True)
        cand = jnp.where(s == m, cols, jnp.int32(2 ** 30))
        ik = jnp.min(cand, axis=1, keepdims=True)
        picks.append(ik)
        s = jnp.where(cols == ik, jnp.float32(3e38), s)
    picks.append(jnp.zeros((ROWS, 16 - K), jnp.int32))
    idx_ref[0] = jnp.concatenate(picks, axis=1)


def _knn_topk(f):
    sq = jnp.sum(f * f, axis=-1)
    idx16 = pl.pallas_call(
        _knn_body,
        grid=(B, N // ROWS),
        in_specs=[
            pl.BlockSpec((1, ROWS, C), lambda b, i: (b, i, 0)),
            pl.BlockSpec((1, N, C), lambda b, i: (b, 0, 0)),
            pl.BlockSpec((1, 1, N), lambda b, i: (b, 0, 0)),
        ],
        out_specs=pl.BlockSpec((1, ROWS, 16), lambda b, i: (b, i, 0)),
        out_shape=jax.ShapeDtypeStruct((B, N, 16), jnp.int32),
    )(f, f, sq[:, None, :])
    return idx16[:, :, :K]



TWO_C = 2 * C
_NW = 32
_NPW = (B * N) // _NW
_NCHUNK = TWO_C // 16
_G = 4
_GIDX = 40
_NGRP = _NPW // _G


def _sc_gather(Qf, idxp):
    mesh = plsc.VectorSubcoreMesh(core_axis_name="c", subcore_axis_name="s")
    info = plsc.get_sparse_core_info()
    nc = info.num_cores
    ngrp_total = (B * N) // _G

    @functools.partial(
        pl.kernel, mesh=mesh,
        compiler_params=pltpu.CompilerParams(use_tc_tiling_on_sc=False),
        out_type=[
            jax.ShapeDtypeStruct((ngrp_total, _G, TWO_C), jnp.float32),
            jax.ShapeDtypeStruct((ngrp_total, _G, TWO_C), jnp.float32),
            jax.ShapeDtypeStruct((ngrp_total, _G, TWO_C), jnp.float32),
            jax.ShapeDtypeStruct((_NW, 1, TWO_C), jnp.float32),
        ],
        scratch_types=[
            pltpu.VMEM((_NGRP * _GIDX,), jnp.int32),
            pltpu.VMEM((_GIDX, TWO_C), jnp.float32),
            pltpu.VMEM((_G, TWO_C), jnp.float32),
            pltpu.VMEM((_G, TWO_C), jnp.float32),
            pltpu.VMEM((_G, TWO_C), jnp.float32),
            pltpu.VMEM((1, TWO_C), jnp.float32),
            pltpu.SemaphoreType.DMA,
        ],
    )
    def k(q_hbm, idx_hbm, mx_hbm, mn_hbm, g1_hbm, a2_hbm,
          idx_v, rows_v, mx_v, mn_v, g1_v, a2_v, sem):
        wid = lax.axis_index("s") * nc + lax.axis_index("c")
        pltpu.sync_copy(idx_hbm.at[wid], idx_v)

        def zero_body(cc, _):
            a2_v[0, pl.ds(cc * 16, 16)] = jnp.zeros((16,), jnp.float32)
            return 0
        lax.fori_loop(0, _NCHUNK, zero_body, 0)

        def group_body(g, _):
            pltpu.async_copy(
                q_hbm.at[idx_v.at[pl.ds(g * _GIDX, _GIDX)]], rows_v, sem).wait()

            def chunk_body(cc, _):
                off = cc * 16
                a2c = a2_v[0, pl.ds(off, 16)]
                for j in range(_G):
                    v = rows_v[j * K, pl.ds(off, 16)]
                    mx = v
                    mn = v
                    s = v
                    a2c = a2c + v * v
                    for kk in range(1, K):
                        v = rows_v[j * K + kk, pl.ds(off, 16)]
                        mx = jnp.maximum(mx, v)
                        mn = jnp.minimum(mn, v)
                        s = s + v
                        a2c = a2c + v * v
                    mx_v[j, pl.ds(off, 16)] = mx
                    mn_v[j, pl.ds(off, 16)] = mn
                    g1_v[j, pl.ds(off, 16)] = s
                a2_v[0, pl.ds(off, 16)] = a2c
                return 0
            lax.fori_loop(0, _NCHUNK, chunk_body, 0)
            gg = wid * _NGRP + g
            pltpu.sync_copy(mx_v, mx_hbm.at[gg])
            pltpu.sync_copy(mn_v, mn_hbm.at[gg])
            pltpu.sync_copy(g1_v, g1_hbm.at[gg])
            return 0
        lax.fori_loop(0, _NGRP, group_body, 0)
        pltpu.sync_copy(a2_v, a2_hbm.at[wid])

    return k(Qf, idxp)


def _gather_reduce(Q, P, idx):
    Qf = Q.reshape(B * N, TWO_C)
    idxp = idx + (jnp.arange(B, dtype=jnp.int32) * N)[:, None, None]
    idxp = idxp.reshape(B * N // _G, _G * K)
    idxp = jnp.pad(idxp, ((0, 0), (0, _GIDX - _G * K)))
    mx, mn, g1, a2 = _sc_gather(Qf, idxp.astype(jnp.int32).reshape(_NW, _NGRP * _GIDX))
    Mx = mx.reshape(B, N, TWO_C)
    Mn = mn.reshape(B, N, TWO_C)
    g1 = g1.reshape(B * N, TWO_C)
    T = jnp.sum(a2[:, 0], axis=0)
    dotPG = jnp.sum(P.reshape(B * N, TWO_C) * g1, axis=0)
    sumG1 = jnp.sum(g1, axis=0)
    return Mx, Mn, sumG1, dotPG, T


def kernel(inputs, params):
    p = params
    x = _conv2d(inputs, p['s1w'], p['s1b'], stride=2, pad=1)
    x = jax.nn.relu(_bn_nchw(x, p['s1g'], p['s1be']))
    x = _conv2d(x, p['s2w'], p['s2b'], stride=2, pad=1)
    x = jax.nn.relu(_bn_nchw(x, p['s2g'], p['s2be']))
    x = _conv2d(x, p['s3w'], p['s3b'], stride=1, pad=1)
    x = _bn_nchw(x, p['s3g'], p['s3be'])
    x = x + p['pos']

    shortcut = x
    y = _conv2d(x, p['gf1w'], p['gf1b'])
    y = _bn_nchw(y, p['gf1g'], p['gf1be'])
    Bc, Cc, H, W = y.shape
    f = y.reshape(Bc, Cc, N).transpose(0, 2, 1)

    idx = _knn_topk(f)

    W1 = p['gecw'][:, :C]
    W2 = p['gecw'][:, C:]
    P = f @ (W1 - W2).T + p['gecb']
    Q = f @ W2.T

    Mx, Mn, sumG1, dotPG, T = _gather_reduce(Q, P, idx)

    cnt = np.float32(B * N * K)
    sumP = jnp.sum(P, axis=(0, 1))
    sumP2 = jnp.sum(P * P, axis=(0, 1))
    mu = (K * sumP + sumG1) / cnt
    var = (K * sumP2 + 2.0 * dotPG + T) / cnt - mu * mu
    sc = p['gecg'] / jnp.sqrt(var + 1e-5)
    sh = p['gecbe'] - mu * sc
    zA = (P + Mx) * sc + sh
    zB = (P + Mn) * sc + sh
    e = jnp.maximum(jax.nn.gelu(zA), jax.nn.gelu(zB))

    e = e.transpose(0, 2, 1).reshape(Bc, 2 * Cc, H, W)
    y = _conv2d(e, p['gf2w'], p['gf2b'])
    y = _bn_nchw(y, p['gf2g'], p['gf2be'])
    x = y + shortcut

    shortcut = x
    y = _conv2d(x, p['ff1w'], p['ff1b'])
    y = jax.nn.gelu(_bn_nchw(y, p['ff1g'], p['ff1be']))
    y = _conv2d(y, p['ff2w'], p['ff2b'])
    y = _bn_nchw(y, p['ff2g'], p['ff2be'])
    x = y + shortcut

    x = jnp.max(x, axis=(2, 3), keepdims=True)
    x = _conv2d(x, p['c1w'], p['c1b'])
    x = jax.nn.relu(_bn_nchw(x, p['c1g'], p['c1be']))
    x = _conv2d(x, p['c2w'], p['c2b'])
    return x[:, :, 0, 0]

# --- scband reference (transcript-rebuilt; emitter-appended) ---
"""Pipeline reference for scband-vig-tinytiny-54348516163872 (READ-ONLY COPY).

The authoritative reference and input builder live on the scoring server;
editing this copy changes nothing except your own understanding.
"""

import jax, jax.numpy as jnp
import numpy as np

C = 768
K = 9
HID = 768
NUM_CLASSES = 1000
B = 2


def _conv2d(x, W, b=None, stride=1, pad=0):
    out = jax.lax.conv_general_dilated(x, W, (stride, stride), ((pad, pad), (pad, pad)),
                                       dimension_numbers=('NCHW', 'OIHW', 'NCHW'))
    if b is not None:
        out = out + b[None, :, None, None]
    return out


def _bn_nchw(x, g, b, eps=1e-5):
    m = jnp.mean(x, axis=(0, 2, 3), keepdims=True)
    v = jnp.var(x, axis=(0, 2, 3), keepdims=True)
    return (x - m) / jnp.sqrt(v + eps) * g[None, :, None, None] + b[None, :, None, None]


def _bn_last(x, g, b, eps=1e-5):
    axes = tuple(range(x.ndim - 1))
    m = jnp.mean(x, axis=axes, keepdims=True)
    v = jnp.var(x, axis=axes, keepdims=True)
    return (x - m) / jnp.sqrt(v + eps) * g + b


def setup_inputs(seed: int = 0):
    key = jax.random.key(seed)
    ks = jax.random.split(key, 16)

    def w(i, shape, fan_in):
        return jax.random.normal(ks[i], shape, dtype=jnp.float32) * np.float32(1.0 / np.sqrt(fan_in))

    params = {
        's1w': w(0, (C // 2, 3, 3, 3), 27), 's1b': jnp.zeros((C // 2,)), 's1g': jnp.ones((C // 2,)), 's1be': jnp.zeros((C // 2,)),
        's2w': w(1, (C, C // 2, 3, 3), (C // 2) * 9), 's2b': jnp.zeros((C,)), 's2g': jnp.ones((C,)), 's2be': jnp.zeros((C,)),
        's3w': w(2, (C, C, 3, 3), C * 9), 's3b': jnp.zeros((C,)), 's3g': jnp.ones((C,)), 's3be': jnp.zeros((C,)),
        'pos': jnp.zeros((1, C, 56, 56), dtype=jnp.float32),
        'gf1w': w(3, (C, C, 1, 1), C), 'gf1b': jnp.zeros((C,)), 'gf1g': jnp.ones((C,)), 'gf1be': jnp.zeros((C,)),
        'gecw': w(4, (2 * C, 2 * C), 2 * C), 'gecb': jnp.zeros((2 * C,)), 'gecg': jnp.ones((2 * C,)), 'gecbe': jnp.zeros((2 * C,)),
        'gf2w': w(5, (C, 2 * C, 1, 1), 2 * C), 'gf2b': jnp.zeros((C,)), 'gf2g': jnp.ones((C,)), 'gf2be': jnp.zeros((C,)),
        'ff1w': w(6, (HID, C, 1, 1), C), 'ff1b': jnp.zeros((HID,)), 'ff1g': jnp.ones((HID,)), 'ff1be': jnp.zeros((HID,)),
        'ff2w': w(7, (C, HID, 1, 1), HID), 'ff2b': jnp.zeros((C,)), 'ff2g': jnp.ones((C,)), 'ff2be': jnp.zeros((C,)),
        'c1w': w(8, (1024, C, 1, 1), C), 'c1b': jnp.zeros((1024,)), 'c1g': jnp.ones((1024,)), 'c1be': jnp.zeros((1024,)),
        'c2w': w(9, (NUM_CLASSES, 1024, 1, 1), 1024), 'c2b': jnp.zeros((NUM_CLASSES,)),
    }
    inputs = jax.random.normal(ks[10], (B, 3, 224, 224), dtype=jnp.float32)
    return {'inputs': inputs, 'params': params}


def _forward(inputs, p):
    # Stem: 3 -> C//2 (s2) -> C (s2) -> C (s1)
    x = _conv2d(inputs, p['s1w'], p['s1b'], stride=2, pad=1)
    x = jax.nn.relu(_bn_nchw(x, p['s1g'], p['s1be']))
    x = _conv2d(x, p['s2w'], p['s2b'], stride=2, pad=1)
    x = jax.nn.relu(_bn_nchw(x, p['s2g'], p['s2be']))
    x = _conv2d(x, p['s3w'], p['s3b'], stride=1, pad=1)
    x = _bn_nchw(x, p['s3g'], p['s3be'])
    x = x + p['pos']

    # Grapher: fc1 -> dynamic kNN EdgeConv -> fc2 -> residual
    shortcut = x
    y = _conv2d(x, p['gf1w'], p['gf1b'])
    y = _bn_nchw(y, p['gf1g'], p['gf1be'])
    Bc, Cc, H, W = y.shape
    N = H * W
    f = y.reshape(Bc, Cc, N).transpose(0, 2, 1)  # [B, N, C]
    sq = jnp.sum(f * f, axis=-1)
    d = sq[:, :, None] + sq[:, None, :] - 2.0 * jnp.einsum('bnc,bmc->bnm', f, f)
    idx = jax.lax.top_k(-d, K)[1]  # [B, N, K] nearest neighbors (incl. self)
    xj = jax.vmap(lambda fb, ib: fb[ib])(f, idx)  # gather: [B, N, K, C]
    xi = jnp.broadcast_to(f[:, :, None, :], xj.shape)
    feat = jnp.concatenate([xi, xj - xi], axis=-1)  # [B, N, K, 2C]
    e = jnp.einsum('oi,bnki->bnko', p['gecw'], feat) + p['gecb']
    e = jax.nn.gelu(_bn_last(e, p['gecg'], p['gecbe']))
    e = jnp.max(e, axis=2)  # max-aggregate over neighbors: [B, N, 2C]
    e = e.transpose(0, 2, 1).reshape(Bc, 2 * Cc, H, W)
    y = _conv2d(e, p['gf2w'], p['gf2b'])
    y = _bn_nchw(y, p['gf2g'], p['gf2be'])
    x = y + shortcut

    # FFN
    shortcut = x
    y = _conv2d(x, p['ff1w'], p['ff1b'])
    y = jax.nn.gelu(_bn_nchw(y, p['ff1g'], p['ff1be']))
    y = _conv2d(y, p['ff2w'], p['ff2b'])
    y = _bn_nchw(y, p['ff2g'], p['ff2be'])
    x = y + shortcut

    # adaptive max pool + classifier
    x = jnp.max(x, axis=(2, 3), keepdims=True)
    x = _conv2d(x, p['c1w'], p['c1b'])
    x = jax.nn.relu(_bn_nchw(x, p['c1g'], p['c1be']))
    x = _conv2d(x, p['c2w'], p['c2b'])
    return x[:, :, 0, 0]


def reference(inputs, params):
    return _forward(inputs, params)

if __name__ == "__main__":
    import jax
    _d = setup_inputs()
    print(jax.jit(kernel)(*tuple(_d.values())))

</pallas_src>

<mosaic_0001>
#map = affine_map<(d0, d1) -> (0, 0)>
#map1 = affine_map<(d0, d1) -> (0, 0, 0)>
module attributes {stable_mosaic.version = 14 : i64} {
  func.func @k(%arg0: i32, %arg1: i32, %arg2: memref<6272x1536xf32, #tpu.memory_space<hbm>>, %arg3: memref<32x1960xi32, #tpu.memory_space<hbm>>, %arg4: memref<1568x4x1536xf32, #tpu.memory_space<hbm>>, %arg5: memref<1568x4x1536xf32, #tpu.memory_space<hbm>>, %arg6: memref<1568x4x1536xf32, #tpu.memory_space<hbm>>, %arg7: memref<32x1x1536xf32, #tpu.memory_space<hbm>>, %arg8: memref<1960xi32, #tpu.memory_space<vmem>>, %arg9: memref<40x1536xf32, #tpu.memory_space<vmem>>, %arg10: memref<4x1536xf32, #tpu.memory_space<vmem>>, %arg11: memref<4x1536xf32, #tpu.memory_space<vmem>>, %arg12: memref<4x1536xf32, #tpu.memory_space<vmem>>, %arg13: memref<1x1536xf32, #tpu.memory_space<vmem>>, %arg14: memref<!tpu.dma_semaphore, #tpu.memory_space<semaphore_mem>>) attributes {dimension_semantics = [#tpu.dimension_semantics<core_parallel>, #tpu.dimension_semantics<subcore_parallel>], iteration_bounds = array<i64: 2, 16>, scalar_prefetch = 0 : i64, scratch_operands = 7 : i64, tpu.core_type = #tpu.core_type<sc_vector_subcore>, window_params = [{transform_indices = #map}, {transform_indices = #map}, {transform_indices = #map1}, {transform_indices = #map1}, {transform_indices = #map1}, {transform_indices = #map1}]} {
    %mul3A = arith.constant 2 : i32
    %mul3A_0 = arith.muli %arg1, %mul3A : i32
    %add3A = arith.addi %mul3A_0, %arg0 : i32
    "tpu.region"() ({
      %run_scoped3A = tpu.sem_alloc : memref<!tpu.dma_semaphore, #tpu.memory_space<semaphore_mem>>
      %dma_start3A = arith.constant 0 : i32
      %dma_start3A_14 = tpu.memref_slice %arg3[%add3A, %dma_start3A] : memref<32x1960xi32, #tpu.memory_space<hbm>> -> memref<1x1960xi32, #tpu.memory_space<hbm>>
      %dma_start3A_15 = tpu.memref_squeeze %dma_start3A_14 : memref<1x1960xi32, #tpu.memory_space<hbm>> -> memref<1960xi32, #tpu.memory_space<hbm>>
      %dma_start3A_16 = arith.constant 0 : i32
      %dma_start3A_17 = tpu.memref_slice %arg3[%add3A, %dma_start3A_16] : memref<32x1960xi32, #tpu.memory_space<hbm>> -> memref<1x1960xi32, #tpu.memory_space<hbm>>
      %dma_start3A_18 = tpu.memref_squeeze %dma_start3A_17 : memref<1x1960xi32, #tpu.memory_space<hbm>> -> memref<1960xi32, #tpu.memory_space<hbm>>
      tpu.enqueue_dma source(%dma_start3A_18 : memref<1960xi32, #tpu.memory_space<hbm>>) target(%arg8 : memref<1960xi32, #tpu.memory_space<vmem>>) target_semaphore(%run_scoped3A : memref<!tpu.dma_semaphore, #tpu.memory_space<semaphore_mem>>)
      %dma_wait3A = arith.constant 0 : i32
      %dma_wait3A_19 = tpu.memref_slice %arg3[%add3A, %dma_wait3A] : memref<32x1960xi32, #tpu.memory_space<hbm>> -> memref<1x1960xi32, #tpu.memory_space<hbm>>
      %dma_wait3A_20 = tpu.memref_squeeze %dma_wait3A_19 : memref<1x1960xi32, #tpu.memory_space<hbm>> -> memref<1960xi32, #tpu.memory_space<hbm>>
      %dma_wait3A_21 = arith.constant 0 : i32
      %dma_wait3A_22 = tpu.memref_slice %arg3[%add3A, %dma_wait3A_21] : memref<32x1960xi32, #tpu.memory_space<hbm>> -> memref<1x1960xi32, #tpu.memory_space<hbm>>
      %dma_wait3A_23 = tpu.memref_squeeze %dma_wait3A_22 : memref<1x1960xi32, #tpu.memory_space<hbm>> -> memref<1960xi32, #tpu.memory_space<hbm>>
      tpu.wait_dma2 semaphore(%run_scoped3A : memref<!tpu.dma_semaphore, #tpu.memory_space<semaphore_mem>>) src(%dma_wait3A_23 : memref<1960xi32, #tpu.memory_space<hbm>>) dst(%arg8 : memref<1960xi32, #tpu.memory_space<vmem>>)
      tpu.yield
    }) : () -> ()
    %scan3A = arith.constant 0 : i32
    %scan3A_1 = arith.constant 0 : i32
    %scan3A_2 = arith.constant 96 : i32
    %scan3A_3 = arith.addi %scan3A_1, %scan3A_2 : i32
    %scan3A_4 = arith.constant 1 : i32
    %scan3A_5 = scf.for %scan3A_14 = %scan3A_1 to %scan3A_3 step %scan3A_4 iter_args(%scan3A_15 = %scan3A) -> (i32)  : i32 {
      %broadcast_in_dim3A = arith.constant 0.000000e+00 : f32
      %broadcast_in_dim3A_16 = vector.broadcast %broadcast_in_dim3A : f32 to vector<16xf32>
      %mul3A_17 = arith.constant 16 : i32
      %mul3A_18 = arith.muli %scan3A_14, %mul3A_17 : i32
      %swap3A = arith.constant 0 : i32
      %swap3A_19 = arith.index_cast %swap3A : i32 to index
      %swap3A_20 = arith.index_cast %mul3A_18 : i32 to index
      %swap3A_21 = tpu.vector_load %arg13[%swap3A_19, %swap3A_20] {strides = array<i32>} : memref<1x1536xf32, #tpu.memory_space<vmem>>, vector<1x16xf32>,
      %swap3A_22 = vector.shape_cast %swap3A_21 : vector<1x16xf32> to vector<16xf32>
      %swap3A_23 = vector.shape_cast %broadcast_in_dim3A_16 : vector<16xf32> to vector<1x16xf32>
      tpu.vector_store %arg13[%swap3A_19, %swap3A_20], %swap3A_23 {strides = array<i32>} : memref<1x1536xf32, #tpu.memory_space<vmem>>, vector<1x16xf32>,
      %scan3A_24 = arith.constant 0 : i32
      scf.yield %scan3A_24 : i32
    }
    %scan3A_6 = arith.constant 96 : i32
    %scan3A_7 = arith.constant 0 : i32
    %scan3A_8 = arith.constant 0 : i32
    %scan3A_9 = arith.constant 49 : i32
    %scan3A_10 = arith.addi %scan3A_8, %scan3A_9 : i32
    %scan3A_11 = arith.constant 1 : i32
    %scan3A_12 = scf.for %scan3A_14 = %scan3A_8 to %scan3A_10 step %scan3A_11 iter_args(%scan3A_15 = %scan3A_7) -> (i32)  : i32 {
      %mul3A_16 = arith.constant 40 : i32
      %mul3A_17 = arith.muli %scan3A_14, %mul3A_16 : i32
      %dma_start3A = tpu.memref_slice %arg8[%mul3A_17] : memref<1960xi32, #tpu.memory_space<vmem>> -> memref<40xi32, #tpu.memory_space<vmem>>
      %dma_start3A_18 = arith.constant 0 : i32
      %dma_start3A_19 = arith.constant 0 : i32
      %dma_start3A_20 = tpu.memref_slice %arg2[%dma_start3A_18, %dma_start3A_19] : memref<6272x1536xf32, #tpu.memory_space<hbm>> -> memref<6272x1536xf32, #tpu.memory_space<hbm>>
      tpu.enqueue_indirect_dma source(%dma_start3A_20 : memref<6272x1536xf32, #tpu.memory_space<hbm>>) target(%arg9 : memref<40x1536xf32, #tpu.memory_space<vmem>>) offsets(%dma_start3A : memref<40xi32, #tpu.memory_space<vmem>>) semaphore(%arg14 : memref<!tpu.dma_semaphore, #tpu.memory_space<semaphore_mem>>)
      %dma_wait3A = tpu.memref_slice %arg8[%mul3A_17] : memref<1960xi32, #tpu.memory_space<vmem>> -> memref<40xi32, #tpu.memory_space<vmem>>
      %dma_wait3A_21 = arith.constant 0 : i32
      %dma_wait3A_22 = arith.constant 0 : i32
      %dma_wait3A_23 = tpu.memref_slice %arg2[%dma_wait3A_21, %dma_wait3A_22] : memref<6272x1536xf32, #tpu.memory_space<hbm>> -> memref<6272x1536xf32, #tpu.memory_space<hbm>>
      tpu.wait_indirect_dma semaphore(%arg14 : memref<!tpu.dma_semaphore, #tpu.memory_space<semaphore_mem>>) src(%dma_wait3A_23 : memref<6272x1536xf32, #tpu.memory_space<hbm>>) dst(%arg9 : memref<40x1536xf32, #tpu.memory_space<vmem>>)
      %scan3A_24 = arith.constant 0 : i32
      %scan3A_25 = arith.constant 0 : i32
      %scan3A_26 = arith.constant 96 : i32
      %scan3A_27 = arith.addi %scan3A_25, %scan3A_26 : i32
      %scan3A_28 = arith.constant 1 : i32
      %scan3A_29 = scf.for %scan3A_35 = %scan3A_25 to %scan3A_27 step %scan3A_28 iter_args(%scan3A_36 = %scan3A_24) -> (i32)  : i32 {
        %mul3A_37 = arith.constant 16 : i32
        %mul3A_38 = arith.muli %scan3A_35, %mul3A_37 : i32
        %get3A = arith.constant 0 : i32
        %get3A_39 = arith.index_cast %get3A : i32 to index
        %get3A_40 = arith.index_cast %mul3A_38 : i32 to index
        %get3A_41 = tpu.vector_load %arg13[%get3A_39, %get3A_40] {strides = array<i32>} : memref<1x1536xf32, #tpu.memory_space<vmem>>, vector<1x16xf32>,
        %get3A_42 = vector.shape_cast %get3A_41 : vector<1x16xf32> to vector<16xf32>
        %get3A_43 = arith.constant 0 : i32
        %get3A_44 = arith.index_cast %get3A_43 : i32 to index
        %get3A_45 = arith.index_cast %mul3A_38 : i32 to index
        %get3A_46 = tpu.vector_load %arg9[%get3A_44, %get3A_45] {strides = array<i32>} : memref<40x1536xf32, #tpu.memory_space<vmem>>, vector<1x16xf32>,
        %get3A_47 = vector.shape_cast %get3A_46 : vector<1x16xf32> to vector<16xf32>
        %mul3A_48 = arith.mulf %get3A_47, %get3A_47 : vector<16xf32>
        %add3A_49 = arith.addf %get3A_42, %mul3A_48 : vector<16xf32>
        %get3A_50 = arith.constant 1 : i32
        %get3A_51 = arith.index_cast %get3A_50 : i32 to index
        %get3A_52 = arith.index_cast %mul3A_38 : i32 to index
        %get3A_53 = tpu.vector_load %arg9[%get3A_51, %get3A_52] {strides = array<i32>} : memref<40x1536xf32, #tpu.memory_space<vmem>>, vector<1x16xf32>,
        %get3A_54 = vector.shape_cast %get3A_53 : vector<1x16xf32> to vector<16xf32>
        %max3A = arith.maximumf %get3A_47, %get3A_54 : vector<16xf32>
        %min3A = arith.minimumf %get3A_47, %get3A_54 : vector<16xf32>
        %add3A_55 = arith.addf %get3A_47, %get3A_54 : vector<16xf32>
        %mul3A_56 = arith.mulf %get3A_54, %get3A_54 : vector<16xf32>
        %add3A_57 = arith.addf %add3A_49, %mul3A_56 : vector<16xf32>
        %get3A_58 = arith.constant 2 : i32
        %get3A_59 = arith.index_cast %get3A_58 : i32 to index
        %get3A_60 = arith.index_cast %mul3A_38 : i32 to index
        %get3A_61 = tpu.vector_load %arg9[%get3A_59, %get3A_60] {strides = array<i32>} : memref<40x1536xf32, #tpu.memory_space<vmem>>, vector<1x16xf32>,
        %get3A_62 = vector.shape_cast %get3A_61 : vector<1x16xf32> to vector<16xf32>
        %max3A_63 = arith.maximumf %max3A, %get3A_62 : vector<16xf32>
        %min3A_64 = arith.minimumf %min3A, %get3A_62 : vector<16xf32>
        %add3A_65 = arith.addf %add3A_55, %get3A_62 : vector<16xf32>
        %mul3A_66 = arith.mulf %get3A_62, %get3A_62 : vector<16xf32>
        %add3A_67 = arith.addf %add3A_57, %mul3A_66 : vector<16xf32>
        %get3A_68 = arith.constant 3 : i32
        %get3A_69 = arith.index_cast %get3A_68 : i32 to index
        %get3A_70 = arith.index_cast %mul3A_38 : i32 to index
        %get3A_71 = tpu.vector_load %arg9[%get3A_69, %get3A_70] {strides = array<i32>} : memref<40x1536xf32, #tpu.memory_space<vmem>>, vector<1x16xf32>,
        %get3A_72 = vector.shape_cast %get3A_71 : vector<1x16xf32> to vector<16xf32>
        %max3A_73 = arith.maximumf %max3A_63, %get3A_72 : vector<16xf32>
        %min3A_74 = arith.minimumf %min3A_64, %get3A_72 : vector<16xf32>
        %add3A_75 = arith.addf %add3A_65, %get3A_72 : vector<16xf32>
        %mul3A_76 = arith.mulf %get3A_72, %get3A_72 : vector<16xf32>
        %add3A_77 = arith.addf %add3A_67, %mul3A_76 : vector<16xf32>
        %get3A_78 = arith.constant 4 : i32
        %get3A_79 = arith.index_cast %get3A_78 : i32 to index
        %get3A_80 = arith.index_cast %mul3A_38 : i32 to index
        %get3A_81 = tpu.vector_load %arg9[%get3A_79, %get3A_80] {strides = array<i32>} : memref<40x1536xf32, #tpu.memory_space<vmem>>, vector<1x16xf32>,
        %get3A_82 = vector.shape_cast %get3A_81 : vector<1x16xf32> to vector<16xf32>
        %max3A_83 = arith.maximumf %max3A_73, %get3A_82 : vector<16xf32>
        %min3A_84 = arith.minimumf %min3A_74, %get3A_82 : vector<16xf32>
        %add3A_85 = arith.addf %add3A_75, %get3A_82 : vector<16xf32>
        %mul3A_86 = arith.mulf %get3A_82, %get3A_82 : vector<16xf32>
        %add3A_87 = arith.addf %add3A_77, %mul3A_86 : vector<16xf32>
        %get3A_88 = arith.constant 5 : i32
        %get3A_89 = arith.index_cast %get3A_88 : i32 to index
        %get3A_90 = arith.index_cast %mul3A_38 : i32 to index
        %get3A_91 = tpu.vector_load %arg9[%get3A_89, %get3A_90] {strides = array<i32>} : memref<40x1536xf32, #tpu.memory_space<vmem>>, vector<1x16xf32>,
        %get3A_92 = vector.shape_cast %get3A_91 : vector<1x16xf32> to vector<16xf32>
        %max3A_93 = arith.maximumf %max3A_83, %get3A_92 : vector<16xf32>
        %min3A_94 = arith.minimumf %min3A_84, %get3A_92 : vector<16xf32>
        %add3A_95 = arith.addf %add3A_85, %get3A_92 : vector<16xf32>
        %mul3A_96 = arith.mulf %get3A_92, %get3A_92 : vector<16xf32>
        %add3A_97 = arith.addf %add3A_87, %mul3A_96 : vector<16xf32>
        %get3A_98 = arith.constant 6 : i32
        %get3A_99 = arith.index_cast %get3A_98 : i32 to index
        %get3A_100 = arith.index_cast %mul3A_38 : i32 to index
        %get3A_101 = tpu.vector_load %arg9[%get3A_99, %get3A_100] {strides = array<i32>} : memref<40x1536xf32, #tpu.memory_space<vmem>>, vector<1x16xf32>,
        %get3A_102 = vector.shape_cast %get3A_101 : vector<1x16xf32> to vector<16xf32>
        %max3A_103 = arith.maximumf %max3A_93, %get3A_102 : vector<16xf32>
        %min3A_104 = arith.minimumf %min3A_94, %get3A_102 : vector<16xf32>
        %add3A_105 = arith.addf %add3A_95, %get3A_102 : vector<16xf32>
        %mul3A_106 = arith.mulf %get3A_102, %get3A_102 : vector<16xf32>
        %add3A_107 = arith.addf %add3A_97, %mul3A_106 : vector<16xf32>
        %get3A_108 = arith.constant 7 : i32
        %get3A_109 = arith.index_cast %get3A_108 : i32 to index
        %get3A_110 = arith.index_cast %mul3A_38 : i32 to index
        %get3A_111 = tpu.vector_load %arg9[%get3A_109, %get3A_110] {strides = array<i32>} : memref<40x1536xf32, #tpu.memory_space<vmem>>, vector<1x16xf32>,
        %get3A_112 = vector.shape_cast %get3A_111 : vector<1x16xf32> to vector<16xf32>
        %max3A_113 = arith.maximumf %max3A_103, %get3A_112 : vector<16xf32>
        %min3A_114 = arith.minimumf %min3A_104, %get3A_112 : vector<16xf32>
        %add3A_115 = arith.addf %add3A_105, %get3A_112 : vector<16xf32>
        %mul3A_116 = arith.mulf %get3A_112, %get3A_112 : vector<16xf32>
        %add3A_117 = arith.addf %add3A_107, %mul3A_116 : vector<16xf32>
        %get3A_118 = arith.constant 8 : i32
        %get3A_119 = arith.index_cast %get3A_118 : i32 to index
        %get3A_120 = arith.index_cast %mul3A_38 : i32 to index
        %get3A_121 = tpu.vector_load %arg9[%get3A_119, %get3A_120] {strides = array<i32>} : memref<40x1536xf32, #tpu.memory_space<vmem>>, vector<1x16xf32>,
        %get3A_122 = vector.shape_cast %get3A_121 : vector<1x16xf32> to vector<16xf32>
        %max3A_123 = arith.maximumf %max3A_113, %get3A_122 : vector<16xf32>
        %min3A_124 = arith.minimumf %min3A_114, %get3A_122 : vector<16xf32>
        %add3A_125 = arith.addf %add3A_115, %get3A_122 : vector<16xf32>
        %mul3A_126 = arith.mulf %get3A_122, %get3A_122 : vector<16xf32>
        %add3A_127 = arith.addf %add3A_117, %mul3A_126 : vector<16xf32>
        %swap3A = arith.constant 0 : i32
        %swap3A_128 = arith.index_cast %swap3A : i32 to index
        %swap3A_129 = arith.index_cast %mul3A_38 : i32 to index
        %swap3A_130 = tpu.vector_load %arg10[%swap3A_128, %swap3A_129] {strides = array<i32>} : memref<4x1536xf32, #tpu.memory_space<vmem>>, vector<1x16xf32>,
        %swap3A_131 = vector.shape_cast %swap3A_130 : vector<1x16xf32> to vector<16xf32>
        %swap3A_132 = vector.shape_cast %max3A_123 : vector<16xf32> to vector<1x16xf32>
        tpu.vector_store %arg10[%swap3A_128, %swap3A_129], %swap3A_132 {strides = array<i32>} : memref<4x1536xf32, #tpu.memory_space<vmem>>, vector<1x16xf32>,
        %swap3A_133 = arith.constant 0 : i32
        %swap3A_134 = arith.index_cast %swap3A_133 : i32 to index
        %swap3A_135 = arith.index_cast %mul3A_38 : i32 to index
        %swap3A_136 = tpu.vector_load %arg11[%swap3A_134, %swap3A_135] {strides = array<i32>} : memref<4x1536xf32, #tpu.memory_space<vmem>>, vector<1x16xf32>,
        %swap3A_137 = vector.shape_cast %swap3A_136 : vector<1x16xf32> to vector<16xf32>
        %swap3A_138 = vector.shape_cast %min3A_124 : vector<16xf32> to vector<1x16xf32>
        tpu.vector_store %arg11[%swap3A_134, %swap3A_135], %swap3A_138 {strides = array<i32>} : memref<4x1536xf32, #tpu.memory_space<vmem>>, vector<1x16xf32>,
        %swap3A_139 = arith.constant 0 : i32
        %swap3A_140 = arith.index_cast %swap3A_139 : i32 to index
        %swap3A_141 = arith.index_cast %mul3A_38 : i32 to index
        %swap3A_142 = tpu.vector_load %arg12[%swap3A_140, %swap3A_141] {strides = array<i32>} : memref<4x1536xf32, #tpu.memory_space<vmem>>, vector<1x16xf32>,
        %swap3A_143 = vector.shape_cast %swap3A_142 : vector<1x16xf32> to vector<16xf32>
        %swap3A_144 = vector.shape_cast %add3A_125 : vector<16xf32> to vector<1x16xf32>
        tpu.vector_store %arg12[%swap3A_140, %swap3A_141], %swap3A_144 {strides = array<i32>} : memref<4x1536xf32, #tpu.memory_space<vmem>>, vector<1x16xf32>,
        %get3A_145 = arith.constant 9 : i32
        %get3A_146 = arith.index_cast %get3A_145 : i32 to index
        %get3A_147 = arith.index_cast %mul3A_38 : i32 to index
        %get3A_148 = tpu.vector_load %arg9[%get3A_146, %get3A_147] {strides = array<i32>} : memref<40x1536xf32, #tpu.memory_space<vmem>>, vector<1x16xf32>,
        %get3A_149 = vector.shape_cast %get3A_148 : vector<1x16xf32> to vector<16xf32>
        %mul3A_150 = arith.mulf %get3A_149, %get3A_149 : vector<16xf32>
        %add3A_151 = arith.addf %add3A_127, %mul3A_150 : vector<16xf32>
        %get3A_152 = arith.constant 10 : i32
        %get3A_153 = arith.index_cast %get3A_152 : i32 to index
        %get3A_154 = arith.index_cast %mul3A_38 : i32 to index
        %get3A_155 = tpu.vector_load %arg9[%get3A_153, %get3A_154] {strides = array<i32>} : memref<40x1536xf32, #tpu.memory_space<vmem>>, vector<1x16xf32>,
        %get3A_156 = vector.shape_cast %get3A_155 : vector<1x16xf32> to vector<16xf32>
        %max3A_157 = arith.maximumf %get3A_149, %get3A_156 : vector<16xf32>
        %min3A_158 = arith.minimumf %get3A_149, %get3A_156 : vector<16xf32>
        %add3A_159 = arith.addf %get3A_149, %get3A_156 : vector<16xf32>
        %mul3A_160 = arith.mulf %get3A_156, %get3A_156 : vector<16xf32>
        %add3A_161 = arith.addf %add3A_151, %mul3A_160 : vector<16xf32>
        %get3A_162 = arith.constant 11 : i32
        %get3A_163 = arith.index_cast %get3A_162 : i32 to index
        %get3A_164 = arith.index_cast %mul3A_38 : i32 to index
        %get3A_165 = tpu.vector_load %arg9[%get3A_163, %get3A_164] {strides = array<i32>} : memref<40x1536xf32, #tpu.memory_space<vmem>>, vector<1x16xf32>,
        %get3A_166 = vector.shape_cast %get3A_165 : vector<1x16xf32> to vector<16xf32>
        %max3A_167 = arith.maximumf %max3A_157, %get3A_166 : vector<16xf32>
        %min3A_168 = arith.minimumf %min3A_158, %get3A_166 : vector<16xf32>
        %add3A_169 = arith.addf %add3A_159, %get3A_166 : vector<16xf32>
        %mul3A_170 = arith.mulf %get3A_166, %get3A_166 : vector<16xf32>
        %add3A_171 = arith.addf %add3A_161, %mul3A_170 : vector<16xf32>
        %get3A_172 = arith.constant 12 : i32
        %get3A_173 = arith.index_cast %get3A_172 : i32 to index
        %get3A_174 = arith.index_cast %mul3A_38 : i32 to index
        %get3A_175 = tpu.vector_load %arg9[%get3A_173, %get3A_174] {strides = array<i32>} : memref<40x1536xf32, #tpu.memory_space<vmem>>, vector<1x16xf32>,
        %get3A_176 = vector.shape_cast %get3A_175 : vector<1x16xf32> to vector<16xf32>
        %max3A_177 = arith.maximumf %max3A_167, %get3A_176 : vector<16xf32>
        %min3A_178 = arith.minimumf %min3A_168, %get3A_176 : vector<16xf32>
        %add3A_179 = arith.addf %add3A_169, %get3A_176 : vector<16xf32>
        %mul3A_180 = arith.mulf %get3A_176, %get3A_176 : vector<16xf32>
        %add3A_181 = arith.addf %add3A_171, %mul3A_180 : vector<16xf32>
        %get3A_182 = arith.constant 13 : i32
        %get3A_183 = arith.index_cast %get3A_182 : i32 to index
        %get3A_184 = arith.index_cast %mul3A_38 : i32 to index
        %get3A_185 = tpu.vector_load %arg9[%get3A_183, %get3A_184] {strides = array<i32>} : memref<40x1536xf32, #tpu.memory_space<vmem>>, vector<1x16xf32>,
        %get3A_186 = vector.shape_cast %get3A_185 : vector<1x16xf32> to vector<16xf32>
        %max3A_187 = arith.maximumf %max3A_177, %get3A_186 : vector<16xf32>
        %min3A_188 = arith.minimumf %min3A_178, %get3A_186 : vector<16xf32>
        %add3A_189 = arith.addf %add3A_179, %get3A_186 : vector<16xf32>
        %mul3A_190 = arith.mulf %get3A_186, %get3A_186 : vector<16xf32>
        %add3A_191 = arith.addf %add3A_181, %mul3A_190 : vector<16xf32>
        %get3A_192 = arith.constant 14 : i32
        %get3A_193 = arith.index_cast %get3A_192 : i32 to index
        %get3A_194 = arith.index_cast %mul3A_38 : i32 to index
        %get3A_195 = tpu.vector_load %arg9[%get3A_193, %get3A_194] {strides = array<i32>} : memref<40x1536xf32, #tpu.memory_space<vmem>>, vector<1x16xf32>,
        %get3A_196 = vector.shape_cast %get3A_195 : vector<1x16xf32> to vector<16xf32>
        %max3A_197 = arith.maximumf %max3A_187, %get3A_196 : vector<16xf32>
        %min3A_198 = arith.minimumf %min3A_188, %get3A_196 : vector<16xf32>
        %add3A_199 = arith.addf %add3A_189, %get3A_196 : vector<16xf32>
        %mul3A_200 = arith.mulf %get3A_196, %get3A_196 : vector<16xf32>
        %add3A_201 = arith.addf %add3A_191, %mul3A_200 : vector<16xf32>
        %get3A_202 = arith.constant 15 : i32
        %get3A_203 = arith.index_cast %get3A_202 : i32 to index
        %get3A_204 = arith.index_cast %mul3A_38 : i32 to index
        %get3A_205 = tpu.vector_load %arg9[%get3A_203, %get3A_204] {strides = array<i32>} : memref<40x1536xf32, #tpu.memory_space<vmem>>, vector<1x16xf32>,
        %get3A_206 = vector.shape_cast %get3A_205 : vector<1x16xf32> to vector<16xf32>
        %max3A_207 = arith.maximumf %max3A_197, %get3A_206 : vector<16xf32>
        %min3A_208 = arith.minimumf %min3A_198, %get3A_206 : vector<16xf32>
        %add3A_209 = arith.addf %add3A_199, %get3A_206 : vector<16xf32>
        %mul3A_210 = arith.mulf %get3A_206, %get3A_206 : vector<16xf32>
        %add3A_211 = arith.addf %add3A_201, %mul3A_210 : vector<16xf32>
        %get3A_212 = arith.constant 16 : i32
        %get3A_213 = arith.index_cast %get3A_212 : i32 to index
        %get3A_214 = arith.index_cast %mul3A_38 : i32 to index
        %get3A_215 = tpu.vector_load %arg9[%get3A_213, %get3A_214] {strides = array<i32>} : memref<40x1536xf32, #tpu.memory_space<vmem>>, vector<1x16xf32>,
        %get3A_216 = vector.shape_cast %get3A_215 : vector<1x16xf32> to vector<16xf32>
        %max3A_217 = arith.maximumf %max3A_207, %get3A_216 : vector<16xf32>
        %min3A_218 = arith.minimumf %min3A_208, %get3A_216 : vector<16xf32>
        %add3A_219 = arith.addf %add3A_209, %get3A_216 : vector<16xf32>
        %mul3A_220 = arith.mulf %get3A_216, %get3A_216 : vector<16xf32>
        %add3A_221 = arith.addf %add3A_211, %mul3A_220 : vector<16xf32>
        %get3A_222 = arith.constant 17 : i32
        %get3A_223 = arith.index_cast %get3A_222 : i32 to index
        %get3A_224 = arith.index_cast %mul3A_38 : i32 to index
        %get3A_225 = tpu.vector_load %arg9[%get3A_223, %get3A_224] {strides = array<i32>} : memref<40x1536xf32, #tpu.memory_space<vmem>>, vector<1x16xf32>,
        %get3A_226 = vector.shape_cast %get3A_225 : vector<1x16xf32> to vector<16xf32>
        %max3A_227 = arith.maximumf %max3A_217, %get3A_226 : vector<16xf32>
        %min3A_228 = arith.minimumf %min3A_218, %get3A_226 : vector<16xf32>
        %add3A_229 = arith.addf %add3A_219, %get3A_226 : vector<16xf32>
        %mul3A_230 = arith.mulf %get3A_226, %get3A_226 : vector<16xf32>
        %add3A_231 = arith.addf %add3A_221, %mul3A_230 : vector<16xf32>
        %swap3A_232 = arith.constant 1 : i32
        %swap3A_233 = arith.index_cast %swap3A_232 : i32 to index
        %swap3A_234 = arith.index_cast %mul3A_38 : i32 to index
        %swap3A_235 = tpu.vector_load %arg10[%swap3A_233, %swap3A_234] {strides = array<i32>} : memref<4x1536xf32, #tpu.memory_space<vmem>>, vector<1x16xf32>,
        %swap3A_236 = vector.shape_cast %swap3A_235 : vector<1x16xf32> to vector<16xf32>
        %swap3A_237 = vector.shape_cast %max3A_227 : vector<16xf32> to vector<1x16xf32>
        tpu.vector_store %arg10[%swap3A_233, %swap3A_234], %swap3A_237 {strides = array<i32>} : memref<4x1536xf32, #tpu.memory_space<vmem>>, vector<1x16xf32>,
        %swap3A_238 = arith.constant 1 : i32
        %swap3A_239 = arith.index_cast %swap3A_238 : i32 to index
        %swap3A_240 = arith.index_cast %mul3A_38 : i32 to index
        %swap3A_241 = tpu.vector_load %arg11[%swap3A_239, %swap3A_240] {strides = array<i32>} : memref<4x1536xf32, #tpu.memory_space<vmem>>, vector<1x16xf32>,
        %swap3A_242 = vector.shape_cast %swap3A_241 : vector<1x16xf32> to vector<16xf32>
        %swap3A_243 = vector.shape_cast %min3A_228 : vector<16xf32> to vector<1x16xf32>
        tpu.vector_store %arg11[%swap3A_239, %swap3A_240], %swap3A_243 {strides = array<i32>} : memref<4x1536xf32, #tpu.memory_space<vmem>>, vector<1x16xf32>,
        %swap3A_244 = arith.constant 1 : i32
        %swap3A_245 = arith.index_cast %swap3A_244 : i32 to index
        %swap3A_246 = arith.index_cast %mul3A_38 : i32 to index
        %swap3A_247 = tpu.vector_load %arg12[%swap3A_245, %swap3A_246] {strides = array<i32>} : memref<4x1536xf32, #tpu.memory_space<vmem>>, vector<1x16xf32>,
        %swap3A_248 = vector.shape_cast %swap3A_247 : vector<1x16xf32> to vector<16xf32>
        %swap3A_249 = vector.shape_cast %add3A_229 : vector<16xf32> to vector<1x16xf32>
        tpu.vector_store %arg12[%swap3A_245, %swap3A_246], %swap3A_249 {strides = array<i32>} : memref<4x1536xf32, #tpu.memory_space<vmem>>, vector<1x16xf32>,
        %get3A_250 = arith.constant 18 : i32
        %get3A_251 = arith.index_cast %get3A_250 : i32 to index
        %get3A_252 = arith.index_cast %mul3A_38 : i32 to index
        %get3A_253 = tpu.vector_load %arg9[%get3A_251, %get3A_252] {strides = array<i32>} : memref<40x1536xf32, #tpu.memory_space<vmem>>, vector<1x16xf32>,
        %get3A_254 = vector.shape_cast %get3A_253 : vector<1x16xf32> to vector<16xf32>
        %mul3A_255 = arith.mulf %get3A_254, %get3A_254 : vector<16xf32>
        %add3A_256 = arith.addf %add3A_231, %mul3A_255 : vector<16xf32>
        %get3A_257 = arith.constant 19 : i32
        %get3A_258 = arith.index_cast %get3A_257 : i32 to index
        %get3A_259 = arith.index_cast %mul3A_38 : i32 to index
        %get3A_260 = tpu.vector_load %arg9[%get3A_258, %get3A_259] {strides = array<i32>} : memref<40x1536xf32, #tpu.memory_space<vmem>>, vector<1x16xf32>,
        %get3A_261 = vector.shape_cast %get3A_260 : vector<1x16xf32> to vector<16xf32>
        %max3A_262 = arith.maximumf %get3A_254, %get3A_261 : vector<16xf32>
        %min3A_263 = arith.minimumf %get3A_254, %get3A_261 : vector<16xf32>
        %add3A_264 = arith.addf %get3A_254, %get3A_261 : vector<16xf32>
        %mul3A_265 = arith.mulf %get3A_261, %get3A_261 : vector<16xf32>
        %add3A_266 = arith.addf %add3A_256, %mul3A_265 : vector<16xf32>
        %get3A_267 = arith.constant 20 : i32
        %get3A_268 = arith.index_cast %get3A_267 : i32 to index
        %get3A_269 = arith.index_cast %mul3A_38 : i32 to index
        %get3A_270 = tpu.vector_load %arg9[%get3A_268, %get3A_269] {strides = array<i32>} : memref<40x1536xf32, #tpu.memory_space<vmem>>, vector<1x16xf32>,
        %get3A_271 = vector.shape_cast %get3A_270 : vector<1x16xf32> to vector<16xf32>
        %max3A_272 = arith.maximumf %max3A_262, %get3A_271 : vector<16xf32>
        %min3A_273 = arith.minimumf %min3A_263, %get3A_271 : vector<16xf32>
        %add3A_274 = arith.addf %add3A_264, %get3A_271 : vector<16xf32>
        %mul3A_275 = arith.mulf %get3A_271, %get3A_271 : vector<16xf32>
        %add3A_276 = arith.addf %add3A_266, %mul3A_275 : vector<16xf32>
        %get3A_277 = arith.constant 21 : i32
        %get3A_278 = arith.index_cast %get3A_277 : i32 to index
        %get3A_279 = arith.index_cast %mul3A_38 : i32 to index
        %get3A_280 = tpu.vector_load %arg9[%get3A_278, %get3A_279] {strides = array<i32>} : memref<40x1536xf32, #tpu.memory_space<vmem>>, vector<1x16xf32>,
        %get3A_281 = vector.shape_cast %get3A_280 : vector<1x16xf32> to vector<16xf32>
        %max3A_282 = arith.maximumf %max3A_272, %get3A_281 : vector<16xf32>
        %min3A_283 = arith.minimumf %min3A_273, %get3A_281 : vector<16xf32>
        %add3A_284 = arith.addf %add3A_274, %get3A_281 : vector<16xf32>
        %mul3A_285 = arith.mulf %get3A_281, %get3A_281 : vector<16xf32>
        %add3A_286 = arith.addf %add3A_276, %mul3A_285 : vector<16xf32>
        %get3A_287 = arith.constant 22 : i32
        %get3A_288 = arith.index_cast %get3A_287 : i32 to index
        %get3A_289 = arith.index_cast %mul3A_38 : i32 to index
        %get3A_290 = tpu.vector_load %arg9[%get3A_288, %get3A_289] {strides = array<i32>} : memref<40x1536xf32, #tpu.memory_space<vmem>>, vector<1x16xf32>,
        %get3A_291 = vector.shape_cast %get3A_290 : vector<1x16xf32> to vector<16xf32>
        %max3A_292 = arith.maximumf %max3A_282, %get3A_291 : vector<16xf32>
        %min3A_293 = arith.minimumf %min3A_283, %get3A_291 : vector<16xf32>
        %add3A_294 = arith.addf %add3A_284, %get3A_291 : vector<16xf32>
        %mul3A_295 = arith.mulf %get3A_291, %get3A_291 : vector<16xf32>
        %add3A_296 = arith.addf %add3A_286, %mul3A_295 : vector<16xf32>
        %get3A_297 = arith.constant 23 : i32
        %get3A_298 = arith.index_cast %get3A_297 : i32 to index
        %get3A_299 = arith.index_cast %mul3A_38 : i32 to index
        %get3A_300 = tpu.vector_load %arg9[%get3A_298, %get3A_299] {strides = array<i32>} : memref<40x1536xf32, #tpu.memory_space<vmem>>, vector<1x16xf32>,
        %get3A_301 = vector.shape_cast %get3A_300 : vector<1x16xf32> to vector<16xf32>
        %max3A_302 = arith.maximumf %max3A_292, %get3A_301 : vector<16xf32>
        %min3A_303 = arith.minimumf %min3A_293, %get3A_301 : vector<16xf32>
        %add3A_304 = arith.addf %add3A_294, %get3A_301 : vector<16xf32>
        %mul3A_305 = arith.mulf %get3A_301, %get3A_301 : vector<16xf32>
        %add3A_306 = arith.addf %add3A_296, %mul3A_305 : vector<16xf32>
        %get3A_307 = arith.constant 24 : i32
        %get3A_308 = arith.index_cast %get3A_307 : i32 to index
        %get3A_309 = arith.index_cast %mul3A_38 : i32 to index
        %get3A_310 = tpu.vector_load %arg9[%get3A_308, %get3A_309] {strides = array<i32>} : memref<40x1536xf32, #tpu.memory_space<vmem>>, vector<1x16xf32>,
        %get3A_311 = vector.shape_cast %get3A_310 : vector<1x16xf32> to vector<16xf32>
        %max3A_312 = arith.maximumf %max3A_302, %get3A_311 : vector<16xf32>
        %min3A_313 = arith.minimumf %min3A_303, %get3A_311 : vector<16xf32>
        %add3A_314 = arith.addf %add3A_304, %get3A_311 : vector<16xf32>
        %mul3A_315 = arith.mulf %get3A_311, %get3A_311 : vector<16xf32>
        %add3A_316 = arith.addf %add3A_306, %mul3A_315 : vector<16xf32>
        %get3A_317 = arith.constant 25 : i32
        %get3A_318 = arith.index_cast %get3A_317 : i32 to index
        %get3A_319 = arith.index_cast %mul3A_38 : i32 to index
        %get3A_320 = tpu.vector_load %arg9[%get3A_318, %get3A_319] {strides = array<i32>} : memref<40x1536xf32, #tpu.memory_space<vmem>>, vector<1x16xf32>,
        %get3A_321 = vector.shape_cast %get3A_320 : vector<1x16xf32> to vector<16xf32>
        %max3A_322 = arith.maximumf %max3A_312, %get3A_321 : vector<16xf32>
        %min3A_323 = arith.minimumf %min3A_313, %get3A_321 : vector<16xf32>
        %add3A_324 = arith.addf %add3A_314, %get3A_321 : vector<16xf32>
        %mul3A_325 = arith.mulf %get3A_321, %get3A_321 : vector<16xf32>
        %add3A_326 = arith.addf %add3A_316, %mul3A_325 : vector<16xf32>
        %get3A_327 = arith.constant 26 : i32
        %get3A_328 = arith.index_cast %get3A_327 : i32 to index
        %get3A_329 = arith.index_cast %mul3A_38 : i32 to index
        %get3A_330 = tpu.vector_load %arg9[%get3A_328, %get3A_329] {strides = array<i32>} : memref<40x1536xf32, #tpu.memory_space<vmem>>, vector<1x16xf32>,
        %get3A_331 = vector.shape_cast %get3A_330 : vector<1x16xf32> to vector<16xf32>
        %max3A_332 = arith.maximumf %max3A_322, %get3A_331 : vector<16xf32>
        %min3A_333 = arith.minimumf %min3A_323, %get3A_331 : vector<16xf32>
        %add3A_334 = arith.addf %add3A_324, %get3A_331 : vector<16xf32>
        %mul3A_335 = arith.mulf %get3A_331, %get3A_331 : vector<16xf32>
        %add3A_336 = arith.addf %add3A_326, %mul3A_335 : vector<16xf32>
        %swap3A_337 = arith.constant 2 : i32
        %swap3A_338 = arith.index_cast %swap3A_337 : i32 to index
        %swap3A_339 = arith.index_cast %mul3A_38 : i32 to index
        %swap3A_340 = tpu.vector_load %arg10[%swap3A_338, %swap3A_339] {strides = array<i32>} : memref<4x1536xf32, #tpu.memory_space<vmem>>, vector<1x16xf32>,
        %swap3A_341 = vector.shape_cast %swap3A_340 : vector<1x16xf32> to vector<16xf32>
        %swap3A_342 = vector.shape_cast %max3A_332 : vector<16xf32> to vector<1x16xf32>
        tpu.vector_store %arg10[%swap3A_338, %swap3A_339], %swap3A_342 {strides = array<i32>} : memref<4x1536xf32, #tpu.memory_space<vmem>>, vector<1x16xf32>,
        %swap3A_343 = arith.constant 2 : i32
        %swap3A_344 = arith.index_cast %swap3A_343 : i32 to index
        %swap3A_345 = arith.index_cast %mul3A_38 : i32 to index
        %swap3A_346 = tpu.vector_load %arg11[%swap3A_344, %swap3A_345] {strides = array<i32>} : memref<4x1536xf32, #tpu.memory_space<vmem>>, vector<1x16xf32>,
        %swap3A_347 = vector.shape_cast %swap3A_346 : vector<1x16xf32> to vector<16xf32>
        %swap3A_348 = vector.shape_cast %min3A_333 : vector<16xf32> to vector<1x16xf32>
        tpu.vector_store %arg11[%swap3A_344, %swap3A_345], %swap3A_348 {strides = array<i32>} : memref<4x1536xf32, #tpu.memory_space<vmem>>, vector<1x16xf32>,
        %swap3A_349 = arith.constant 2 : i32
        %swap3A_350 = arith.index_cast %swap3A_349 : i32 to index
        %swap3A_351 = arith.index_cast %mul3A_38 : i32 to index
        %swap3A_352 = tpu.vector_load %arg12[%swap3A_350, %swap3A_351] {strides = array<i32>} : memref<4x1536xf32, #tpu.memory_space<vmem>>, vector<1x16xf32>,
        %swap3A_353 = vector.shape_cast %swap3A_352 : vector<1x16xf32> to vector<16xf32>
        %swap3A_354 = vector.shape_cast %add3A_334 : vector<16xf32> to vector<1x16xf32>
        tpu.vector_store %arg12[%swap3A_350, %swap3A_351], %swap3A_354 {strides = array<i32>} : memref<4x1536xf32, #tpu.memory_space<vmem>>, vector<1x16xf32>,
        %get3A_355 = arith.constant 27 : i32
        %get3A_356 = arith.index_cast %get3A_355 : i32 to index
        %get3A_357 = arith.index_cast %mul3A_38 : i32 to index
        %get3A_358 = tpu.vector_load %arg9[%get3A_356, %get3A_357] {strides = array<i32>} : memref<40x1536xf32, #tpu.memory_space<vmem>>, vector<1x16xf32>,
        %get3A_359 = vector.shape_cast %get3A_358 : vector<1x16xf32> to vector<16xf32>
        %mul3A_360 = arith.mulf %get3A_359, %get3A_359 : vector<16xf32>
        %add3A_361 = arith.addf %add3A_336, %mul3A_360 : vector<16xf32>
        %get3A_362 = arith.constant 28 : i32
        %get3A_363 = arith.index_cast %get3A_362 : i32 to index
        %get3A_364 = arith.index_cast %mul3A_38 : i32 to index
        %get3A_365 = tpu.vector_load %arg9[%get3A_363, %get3A_364] {strides = array<i32>} : memref<40x1536xf32, #tpu.memory_space<vmem>>, vector<1x16xf32>,
        %get3A_366 = vector.shape_cast %get3A_365 : vector<1x16xf32> to vector<16xf32>
        %max3A_367 = arith.maximumf %get3A_359, %get3A_366 : vector<16xf32>
        %min3A_368 = arith.minimumf %get3A_359, %get3A_366 : vector<16xf32>
        %add3A_369 = arith.addf %get3A_359, %get3A_366 : vector<16xf32>
        %mul3A_370 = arith.mulf %get3A_366, %get3A_366 : vector<16xf32>
        %add3A_371 = arith.addf %add3A_361, %mul3A_370 : vector<16xf32>
        %get3A_372 = arith.constant 29 : i32
        %get3A_373 = arith.index_cast %get3A_372 : i32 to index
        %get3A_374 = arith.index_cast %mul3A_38 : i32 to index
        %get3A_375 = tpu.vector_load %arg9[%get3A_373, %get3A_374] {strides = array<i32>} : memref<40x1536xf32, #tpu.memory_space<vmem>>, vector<1x16xf32>,
        %get3A_376 = vector.shape_cast %get3A_375 : vector<1x16xf32> to vector<16xf32>
        %max3A_377 = arith.maximumf %max3A_367, %get3A_376 : vector<16xf32>
        %min3A_378 = arith.minimumf %min3A_368, %get3A_376 : vector<16xf32>
        %add3A_379 = arith.addf %add3A_369, %get3A_376 : vector<16xf32>
        %mul3A_380 = arith.mulf %get3A_376, %get3A_376 : vector<16xf32>
        %add3A_381 = arith.addf %add3A_371, %mul3A_380 : vector<16xf32>
        %get3A_382 = arith.constant 30 : i32
        %get3A_383 = arith.index_cast %get3A_382 : i32 to index
        %get3A_384 = arith.index_cast %mul3A_38 : i32 to index
        %get3A_385 = tpu.vector_load %arg9[%get3A_383, %get3A_384] {strides = array<i32>} : memref<40x1536xf32, #tpu.memory_space<vmem>>, vector<1x16xf32>,
        %get3A_386 = vector.shape_cast %get3A_385 : vector<1x16xf32> to vector<16xf32>
        %max3A_387 = arith.maximumf %max3A_377, %get3A_386 : vector<16xf32>
        %min3A_388 = arith.minimumf %min3A_378, %get3A_386 : vector<16xf32>
        %add3A_389 = arith.addf %add3A_379, %get3A_386 : vector<16xf32>
        %mul3A_390 = arith.mulf %get3A_386, %get3A_386 : vector<16xf32>
        %add3A_391 = arith.addf %add3A_381, %mul3A_390 : vector<16xf32>
        %get3A_392 = arith.constant 31 : i32
        %get3A_393 = arith.index_cast %get3A_392 : i32 to index
        %get3A_394 = arith.index_cast %mul3A_38 : i32 to index
        %get3A_395 = tpu.vector_load %arg9[%get3A_393, %get3A_394] {strides = array<i32>} : memref<40x1536xf32, #tpu.memory_space<vmem>>, vector<1x16xf32>,
        %get3A_396 = vector.shape_cast %get3A_395 : vector<1x16xf32> to vector<16xf32>
        %max3A_397 = arith.maximumf %max3A_387, %get3A_396 : vector<16xf32>
        %min3A_398 = arith.minimumf %min3A_388, %get3A_396 : vector<16xf32>
        %add3A_399 = arith.addf %add3A_389, %get3A_396 : vector<16xf32>
        %mul3A_400 = arith.mulf %get3A_396, %get3A_396 : vector<16xf32>
        %add3A_401 = arith.addf %add3A_391, %mul3A_400 : vector<16xf32>
        %get3A_402 = arith.constant 32 : i32
        %get3A_403 = arith.index_cast %get3A_402 : i32 to index
        %get3A_404 = arith.index_cast %mul3A_38 : i32 to index
        %get3A_405 = tpu.vector_load %arg9[%get3A_403, %get3A_404] {strides = array<i32>} : memref<40x1536xf32, #tpu.memory_space<vmem>>, vector<1x16xf32>,
        %get3A_406 = vector.shape_cast %get3A_405 : vector<1x16xf32> to vector<16xf32>
        %max3A_407 = arith.maximumf %max3A_397, %get3A_406 : vector<16xf32>
        %min3A_408 = arith.minimumf %min3A_398, %get3A_406 : vector<16xf32>
        %add3A_409 = arith.addf %add3A_399, %get3A_406 : vector<16xf32>
        %mul3A_410 = arith.mulf %get3A_406, %get3A_406 : vector<16xf32>
        %add3A_411 = arith.addf %add3A_401, %mul3A_410 : vector<16xf32>
        %get3A_412 = arith.constant 33 : i32
        %get3A_413 = arith.index_cast %get3A_412 : i32 to index
        %get3A_414 = arith.index_cast %mul3A_38 : i32 to index
        %get3A_415 = tpu.vector_load %arg9[%get3A_413, %get3A_414] {strides = array<i32>} : memref<40x1536xf32, #tpu.memory_space<vmem>>, vector<1x16xf32>,
        %get3A_416 = vector.shape_cast %get3A_415 : vector<1x16xf32> to vector<16xf32>
        %max3A_417 = arith.maximumf %max3A_407, %get3A_416 : vector<16xf32>
        %min3A_418 = arith.minimumf %min3A_408, %get3A_416 : vector<16xf32>
        %add3A_419 = arith.addf %add3A_409, %get3A_416 : vector<16xf32>
        %mul3A_420 = arith.mulf %get3A_416, %get3A_416 : vector<16xf32>
        %add3A_421 = arith.addf %add3A_411, %mul3A_420 : vector<16xf32>
        %get3A_422 = arith.constant 34 : i32
        %get3A_423 = arith.index_cast %get3A_422 : i32 to index
        %get3A_424 = arith.index_cast %mul3A_38 : i32 to index
        %get3A_425 = tpu.vector_load %arg9[%get3A_423, %get3A_424] {strides = array<i32>} : memref<40x1536xf32, #tpu.memory_space<vmem>>, vector<1x16xf32>,
        %get3A_426 = vector.shape_cast %get3A_425 : vector<1x16xf32> to vector<16xf32>
        %max3A_427 = arith.maximumf %max3A_417, %get3A_426 : vector<16xf32>
        %min3A_428 = arith.minimumf %min3A_418, %get3A_426 : vector<16xf32>
        %add3A_429 = arith.addf %add3A_419, %get3A_426 : vector<16xf32>
        %mul3A_430 = arith.mulf %get3A_426, %get3A_426 : vector<16xf32>
        %add3A_431 = arith.addf %add3A_421, %mul3A_430 : vector<16xf32>
        %get3A_432 = arith.constant 35 : i32
        %get3A_433 = arith.index_cast %get3A_432 : i32 to index
        %get3A_434 = arith.index_cast %mul3A_38 : i32 to index
        %get3A_435 = tpu.vector_load %arg9[%get3A_433, %get3A_434] {strides = array<i32>} : memref<40x1536xf32, #tpu.memory_space<vmem>>, vector<1x16xf32>,
        %get3A_436 = vector.shape_cast %get3A_435 : vector<1x16xf32> to vector<16xf32>
        %max3A_437 = arith.maximumf %max3A_427, %get3A_436 : vector<16xf32>
        %min3A_438 = arith.minimumf %min3A_428, %get3A_436 : vector<16xf32>
        %add3A_439 = arith.addf %add3A_429, %get3A_436 : vector<16xf32>
        %mul3A_440 = arith.mulf %get3A_436, %get3A_436 : vector<16xf32>
        %add3A_441 = arith.addf %add3A_431, %mul3A_440 : vector<16xf32>
        %swap3A_442 = arith.constant 3 : i32
        %swap3A_443 = arith.index_cast %swap3A_442 : i32 to index
        %swap3A_444 = arith.index_cast %mul3A_38 : i32 to index
        %swap3A_445 = tpu.vector_load %arg10[%swap3A_443, %swap3A_444] {strides = array<i32>} : memref<4x1536xf32, #tpu.memory_space<vmem>>, vector<1x16xf32>,
        %swap3A_446 = vector.shape_cast %swap3A_445 : vector<1x16xf32> to vector<16xf32>
        %swap3A_447 = vector.shape_cast %max3A_437 : vector<16xf32> to vector<1x16xf32>
        tpu.vector_store %arg10[%swap3A_443, %swap3A_444], %swap3A_447 {strides = array<i32>} : memref<4x1536xf32, #tpu.memory_space<vmem>>, vector<1x16xf32>,
        %swap3A_448 = arith.constant 3 : i32
        %swap3A_449 = arith.index_cast %swap3A_448 : i32 to index
        %swap3A_450 = arith.index_cast %mul3A_38 : i32 to index
        %swap3A_451 = tpu.vector_load %arg11[%swap3A_449, %swap3A_450] {strides = array<i32>} : memref<4x1536xf32, #tpu.memory_space<vmem>>, vector<1x16xf32>,
        %swap3A_452 = vector.shape_cast %swap3A_451 : vector<1x16xf32> to vector<16xf32>
        %swap3A_453 = vector.shape_cast %min3A_438 : vector<16xf32> to vector<1x16xf32>
        tpu.vector_store %arg11[%swap3A_449, %swap3A_450], %swap3A_453 {strides = array<i32>} : memref<4x1536xf32, #tpu.memory_space<vmem>>, vector<1x16xf32>,
        %swap3A_454 = arith.constant 3 : i32
        %swap3A_455 = arith.index_cast %swap3A_454 : i32 to index
        %swap3A_456 = arith.index_cast %mul3A_38 : i32 to index
        %swap3A_457 = tpu.vector_load %arg12[%swap3A_455, %swap3A_456] {strides = array<i32>} : memref<4x1536xf32, #tpu.memory_space<vmem>>, vector<1x16xf32>,
        %swap3A_458 = vector.shape_cast %swap3A_457 : vector<1x16xf32> to vector<16xf32>
        %swap3A_459 = vector.shape_cast %add3A_439 : vector<16xf32> to vector<1x16xf32>
        tpu.vector_store %arg12[%swap3A_455, %swap3A_456], %swap3A_459 {strides = array<i32>} : memref<4x1536xf32, #tpu.memory_space<vmem>>, vector<1x16xf32>,
        %swap3A_460 = arith.constant 0 : i32
        %swap3A_461 = arith.index_cast %swap3A_460 : i32 to index
        %swap3A_462 = arith.index_cast %mul3A_38 : i32 to index
        %swap3A_463 = tpu.vector_load %arg13[%swap3A_461, %swap3A_462] {strides = array<i32>} : memref<1x1536xf32, #tpu.memory_space<vmem>>, vector<1x16xf32>,
        %swap3A_464 = vector.shape_cast %swap3A_463 : vector<1x16xf32> to vector<16xf32>
        %swap3A_465 = vector.shape_cast %add3A_441 : vector<16xf32> to vector<1x16xf32>
        tpu.vector_store %arg13[%swap3A_461, %swap3A_462], %swap3A_465 {strides = array<i32>} : memref<1x1536xf32, #tpu.memory_space<vmem>>, vector<1x16xf32>,
        %scan3A_466 = arith.constant 0 : i32
        scf.yield %scan3A_466 : i32
      }
      %scan3A_30 = arith.constant 96 : i32
      %mul3A_31 = arith.constant 49 : i32
      %mul3A_32 = arith.muli %add3A, %mul3A_31 : i32
      %add3A_33 = arith.addi %mul3A_32, %scan3A_14 : i32
      "tpu.region"() ({
        %run_scoped3A = tpu.sem_alloc : memref<!tpu.dma_semaphore, #tpu.memory_space<semaphore_mem>>
        %dma_start3A_35 = arith.constant 0 : i32
        %dma_start3A_36 = arith.constant 0 : i32
        %dma_start3A_37 = tpu.memref_slice %arg4[%add3A_33, %dma_start3A_35, %dma_start3A_36] : memref<1568x4x1536xf32, #tpu.memory_space<hbm>> -> memref<1x4x1536xf32, #tpu.memory_space<hbm>>
        %dma_start3A_38 = tpu.memref_squeeze %dma_start3A_37 : memref<1x4x1536xf32, #tpu.memory_space<hbm>> -> memref<4x1536xf32, #tpu.memory_space<hbm>>
        %dma_start3A_39 = arith.constant 0 : i32
        %dma_start3A_40 = arith.constant 0 : i32
        %dma_start3A_41 = tpu.memref_slice %arg4[%add3A_33, %dma_start3A_39, %dma_start3A_40] : memref<1568x4x1536xf32, #tpu.memory_space<hbm>> -> memref<1x4x1536xf32, #tpu.memory_space<hbm>>
        %dma_start3A_42 = tpu.memref_squeeze %dma_start3A_41 : memref<1x4x1536xf32, #tpu.memory_space<hbm>> -> memref<4x1536xf32, #tpu.memory_space<hbm>>
        tpu.enqueue_dma source(%arg10 : memref<4x1536xf32, #tpu.memory_space<vmem>>) target(%dma_start3A_42 : memref<4x1536xf32, #tpu.memory_space<hbm>>) target_semaphore(%run_scoped3A : memref<!tpu.dma_semaphore, #tpu.memory_space<semaphore_mem>>)
        %dma_wait3A_43 = arith.constant 0 : i32
        %dma_wait3A_44 = arith.constant 0 : i32
        %dma_wait3A_45 = tpu.memref_slice %arg4[%add3A_33, %dma_wait3A_43, %dma_wait3A_44] : memref<1568x4x1536xf32, #tpu.memory_space<hbm>> -> memref<1x4x1536xf32, #tpu.memory_space<hbm>>
        %dma_wait3A_46 = tpu.memref_squeeze %dma_wait3A_45 : memref<1x4x1536xf32, #tpu.memory_space<hbm>> -> memref<4x1536xf32, #tpu.memory_space<hbm>>
        %dma_wait3A_47 = arith.constant 0 : i32
        %dma_wait3A_48 = arith.constant 0 : i32
        %dma_wait3A_49 = tpu.memref_slice %arg4[%add3A_33, %dma_wait3A_47, %dma_wait3A_48] : memref<1568x4x1536xf32, #tpu.memory_space<hbm>> -> memref<1x4x1536xf32, #tpu.memory_space<hbm>>
        %dma_wait3A_50 = tpu.memref_squeeze %dma_wait3A_49 : memref<1x4x1536xf32, #tpu.memory_space<hbm>> -> memref<4x1536xf32, #tpu.memory_space<hbm>>
        tpu.wait_dma2 semaphore(%run_scoped3A : memref<!tpu.dma_semaphore, #tpu.memory_space<semaphore_mem>>) src(%arg10 : memref<4x1536xf32, #tpu.memory_space<vmem>>) dst(%dma_wait3A_50 : memref<4x1536xf32, #tpu.memory_space<hbm>>)
        tpu.yield
      }) : () -> ()
      "tpu.region"() ({
        %run_scoped3A = tpu.sem_alloc : memref<!tpu.dma_semaphore, #tpu.memory_space<semaphore_mem>>
        %dma_start3A_35 = arith.constant 0 : i32
        %dma_start3A_36 = arith.constant 0 : i32
        %dma_start3A_37 = tpu.memref_slice %arg5[%add3A_33, %dma_start3A_35, %dma_start3A_36] : memref<1568x4x1536xf32, #tpu.memory_space<hbm>> -> memref<1x4x1536xf32, #tpu.memory_space<hbm>>
        %dma_start3A_38 = tpu.memref_squeeze %dma_start3A_37 : memref<1x4x1536xf32, #tpu.memory_space<hbm>> -> memref<4x1536xf32, #tpu.memory_space<hbm>>
        %dma_start3A_39 = arith.constant 0 : i32
        %dma_start3A_40 = arith.constant 0 : i32
        %dma_start3A_41 = tpu.memref_slice %arg5[%add3A_33, %dma_start3A_39, %dma_start3A_40] : memref<1568x4x1536xf32, #tpu.memory_space<hbm>> -> memref<1x4x1536xf32, #tpu.memory_space<hbm>>
        %dma_start3A_42 = tpu.memref_squeeze %dma_start3A_41 : memref<1x4x1536xf32, #tpu.memory_space<hbm>> -> memref<4x1536xf32, #tpu.memory_space<hbm>>
        tpu.enqueue_dma source(%arg11 : memref<4x1536xf32, #tpu.memory_space<vmem>>) target(%dma_start3A_42 : memref<4x1536xf32, #tpu.memory_space<hbm>>) target_semaphore(%run_scoped3A : memref<!tpu.dma_semaphore, #tpu.memory_space<semaphore_mem>>)
        %dma_wait3A_43 = arith.constant 0 : i32
        %dma_wait3A_44 = arith.constant 0 : i32
        %dma_wait3A_45 = tpu.memref_slice %arg5[%add3A_33, %dma_wait3A_43, %dma_wait3A_44] : memref<1568x4x1536xf32, #tpu.memory_space<hbm>> -> memref<1x4x1536xf32, #tpu.memory_space<hbm>>
        %dma_wait3A_46 = tpu.memref_squeeze %dma_wait3A_45 : memref<1x4x1536xf32, #tpu.memory_space<hbm>> -> memref<4x1536xf32, #tpu.memory_space<hbm>>
        %dma_wait3A_47 = arith.constant 0 : i32
        %dma_wait3A_48 = arith.constant 0 : i32
        %dma_wait3A_49 = tpu.memref_slice %arg5[%add3A_33, %dma_wait3A_47, %dma_wait3A_48] : memref<1568x4x1536xf32, #tpu.memory_space<hbm>> -> memref<1x4x1536xf32, #tpu.memory_space<hbm>>
        %dma_wait3A_50 = tpu.memref_squeeze %dma_wait3A_49 : memref<1x4x1536xf32, #tpu.memory_space<hbm>> -> memref<4x1536xf32, #tpu.memory_space<hbm>>
        tpu.wait_dma2 semaphore(%run_scoped3A : memref<!tpu.dma_semaphore, #tpu.memory_space<semaphore_mem>>) src(%arg11 : memref<4x1536xf32, #tpu.memory_space<vmem>>) dst(%dma_wait3A_50 : memref<4x1536xf32, #tpu.memory_space<hbm>>)
        tpu.yield
      }) : () -> ()
      "tpu.region"() ({
        %run_scoped3A = tpu.sem_alloc : memref<!tpu.dma_semaphore, #tpu.memory_space<semaphore_mem>>
        %dma_start3A_35 = arith.constant 0 : i32
        %dma_start3A_36 = arith.constant 0 : i32
        %dma_start3A_37 = tpu.memref_slice %arg6[%add3A_33, %dma_start3A_35, %dma_start3A_36] : memref<1568x4x1536xf32, #tpu.memory_space<hbm>> -> memref<1x4x1536xf32, #tpu.memory_space<hbm>>
        %dma_start3A_38 = tpu.memref_squeeze %dma_start3A_37 : memref<1x4x1536xf32, #tpu.memory_space<hbm>> -> memref<4x1536xf32, #tpu.memory_space<hbm>>
        %dma_start3A_39 = arith.constant 0 : i32
        %dma_start3A_40 = arith.constant 0 : i32
        %dma_start3A_41 = tpu.memref_slice %arg6[%add3A_33, %dma_start3A_39, %dma_start3A_40] : memref<1568x4x1536xf32, #tpu.memory_space<hbm>> -> memref<1x4x1536xf32, #tpu.memory_space<hbm>>
        %dma_start3A_42 = tpu.memref_squeeze %dma_start3A_41 : memref<1x4x1536xf32, #tpu.memory_space<hbm>> -> memref<4x1536xf32, #tpu.memory_space<hbm>>
        tpu.enqueue_dma source(%arg12 : memref<4x1536xf32, #tpu.memory_space<vmem>>) target(%dma_start3A_42 : memref<4x1536xf32, #tpu.memory_space<hbm>>) target_semaphore(%run_scoped3A : memref<!tpu.dma_semaphore, #tpu.memory_space<semaphore_mem>>)
        %dma_wait3A_43 = arith.constant 0 : i32
        %dma_wait3A_44 = arith.constant 0 : i32
        %dma_wait3A_45 = tpu.memref_slice %arg6[%add3A_33, %dma_wait3A_43, %dma_wait3A_44] : memref<1568x4x1536xf32, #tpu.memory_space<hbm>> -> memref<1x4x1536xf32, #tpu.memory_space<hbm>>
        %dma_wait3A_46 = tpu.memref_squeeze %dma_wait3A_45 : memref<1x4x1536xf32, #tpu.memory_space<hbm>> -> memref<4x1536xf32, #tpu.memory_space<hbm>>
        %dma_wait3A_47 = arith.constant 0 : i32
        %dma_wait3A_48 = arith.constant 0 : i32
        %dma_wait3A_49 = tpu.memref_slice %arg6[%add3A_33, %dma_wait3A_47, %dma_wait3A_48] : memref<1568x4x1536xf32, #tpu.memory_space<hbm>> -> memref<1x4x1536xf32, #tpu.memory_space<hbm>>
        %dma_wait3A_50 = tpu.memref_squeeze %dma_wait3A_49 : memref<1x4x1536xf32, #tpu.memory_space<hbm>> -> memref<4x1536xf32, #tpu.memory_space<hbm>>
        tpu.wait_dma2 semaphore(%run_scoped3A : memref<!tpu.dma_semaphore, #tpu.memory_space<semaphore_mem>>) src(%arg12 : memref<4x1536xf32, #tpu.memory_space<vmem>>) dst(%dma_wait3A_50 : memref<4x1536xf32, #tpu.memory_space<hbm>>)
        tpu.yield
      }) : () -> ()
      %scan3A_34 = arith.constant 0 : i32
      scf.yield %scan3A_34 : i32
    }
    %scan3A_13 = arith.constant 49 : i32
    "tpu.region"() ({
      %run_scoped3A = tpu.sem_alloc : memref<!tpu.dma_semaphore, #tpu.memory_space<semaphore_mem>>
      %dma_start3A = arith.constant 0 : i32
      %dma_start3A_14 = arith.constant 0 : i32
      %dma_start3A_15 = tpu.memref_slice %arg7[%add3A, %dma_start3A, %dma_start3A_14] : memref<32x1x1536xf32, #tpu.memory_space<hbm>> -> memref<1x1x1536xf32, #tpu.memory_space<hbm>>
      %dma_start3A_16 = tpu.memref_squeeze %dma_start3A_15 : memref<1x1x1536xf32, #tpu.memory_space<hbm>> -> memref<1x1536xf32, #tpu.memory_space<hbm>>
      %dma_start3A_17 = arith.constant 0 : i32
      %dma_start3A_18 = arith.constant 0 : i32
      %dma_start3A_19 = tpu.memref_slice %arg7[%add3A, %dma_start3A_17, %dma_start3A_18] : memref<32x1x1536xf32, #tpu.memory_space<hbm>> -> memref<1x1x1536xf32, #tpu.memory_space<hbm>>
      %dma_start3A_20 = tpu.memref_squeeze %dma_start3A_19 : memref<1x1x1536xf32, #tpu.memory_space<hbm>> -> memref<1x1536xf32, #tpu.memory_space<hbm>>
      tpu.enqueue_dma source(%arg13 : memref<1x1536xf32, #tpu.memory_space<vmem>>) target(%dma_start3A_20 : memref<1x1536xf32, #tpu.memory_space<hbm>>) target_semaphore(%run_scoped3A : memref<!tpu.dma_semaphore, #tpu.memory_space<semaphore_mem>>)
      %dma_wait3A = arith.constant 0 : i32
      %dma_wait3A_21 = arith.constant 0 : i32
      %dma_wait3A_22 = tpu.memref_slice %arg7[%add3A, %dma_wait3A, %dma_wait3A_21] : memref<32x1x1536xf32, #tpu.memory_space<hbm>> -> memref<1x1x1536xf32, #tpu.memory_space<hbm>>
      %dma_wait3A_23 = tpu.memref_squeeze %dma_wait3A_22 : memref<1x1x1536xf32, #tpu.memory_space<hbm>> -> memref<1x1536xf32, #tpu.memory_space<hbm>>
      %dma_wait3A_24 = arith.constant 0 : i32
      %dma_wait3A_25 = arith.constant 0 : i32
      %dma_wait3A_26 = tpu.memref_slice %arg7[%add3A, %dma_wait3A_24, %dma_wait3A_25] : memref<32x1x1536xf32, #tpu.memory_space<hbm>> -> memref<1x1x1536xf32, #tpu.memory_space<hbm>>
      %dma_wait3A_27 = tpu.memref_squeeze %dma_wait3A_26 : memref<1x1x1536xf32, #tpu.memory_space<hbm>> -> memref<1x1536xf32, #tpu.memory_space<hbm>>
      tpu.wait_dma2 semaphore(%run_scoped3A : memref<!tpu.dma_semaphore, #tpu.memory_space<semaphore_mem>>) src(%arg13 : memref<1x1536xf32, #tpu.memory_space<vmem>>) dst(%dma_wait3A_27 : memref<1x1536xf32, #tpu.memory_space<hbm>>)
      tpu.yield
    }) : () -> ()
    return
  }
}

module attributes {stable_mosaic.version = 14 : i64} {
  func.func @_knn_body(%arg0: i32, %arg1: i32, %arg2: memref<1x392x768xf32, #tpu.memory_space<vmem>>, %arg3: memref<1x3136x768xf32, #tpu.memory_space<vmem>>, %arg4: memref<1x1x3136xf32, #tpu.memory_space<vmem>>, %arg5: memref<1x392x16xi32, #tpu.memory_space<vmem>>) attributes {dimension_semantics = [#tpu.dimension_semantics<arbitrary>, #tpu.dimension_semantics<arbitrary>], iteration_bounds = array<i64: 2, 8>, scalar_prefetch = 0 : i64, scratch_operands = 0 : i64, tpu.core_type = #tpu.core_type<tc>, window_params = [{transform_indices = @transform_0, window_bounds = array<i64: 1, 392, 768>}, {transform_indices = @transform_1, window_bounds = array<i64: 1, 3136, 768>}, {transform_indices = @transform_2, window_bounds = array<i64: 1, 1, 3136>}, {transform_indices = @transform_3, window_bounds = array<i64: 1, 392, 16>}]} {
    %get3A = arith.constant 0 : index
    %get3A_0 = arith.constant 0 : index
    %get3A_1 = arith.constant 0 : index
    %get3A_2 = vector.load %arg2[%get3A, %get3A_0, %get3A_1] : memref<1x392x768xf32, #tpu.memory_space<vmem>>, vector<1x392x768xf32>
    %get3A_3 = vector.shape_cast %get3A_2 : vector<1x392x768xf32> to vector<392x768xf32>
    %convert_element_type3A = arith.truncf %get3A_3 : vector<392x768xf32> to vector<392x768xbf16>
    %get3A_4 = arith.constant 0 : index
    %get3A_5 = arith.constant 0 : index
    %get3A_6 = arith.constant 0 : index
    %get3A_7 = vector.load %arg3[%get3A_4, %get3A_5, %get3A_6] : memref<1x3136x768xf32, #tpu.memory_space<vmem>>, vector<1x3136x768xf32>
    %get3A_8 = vector.shape_cast %get3A_7 : vector<1x3136x768xf32> to vector<3136x768xf32>
    %convert_element_type3A_9 = arith.truncf %get3A_8 : vector<3136x768xf32> to vector<3136x768xbf16>
    %mul3A = arith.mulf %get3A_3, %get3A_3 : vector<392x768xf32>
    %reduce_sum3A = arith.constant dense<0.000000e+00> : vector<392xf32>
    %reduce_sum3A_10 = vector.multi_reduction <add>, %mul3A, %reduce_sum3A [1] : vector<392x768xf32> to vector<392xf32>
    %broadcast_in_dim3A = vector.shape_cast %reduce_sum3A_10 : vector<392xf32> to vector<392x1xf32>
    %get3A_11 = arith.constant 0 : index
    %get3A_12 = arith.constant 0 : index
    %get3A_13 = arith.constant 0 : index
    %get3A_14 = vector.load %arg4[%get3A_11, %get3A_12, %get3A_13] : memref<1x1x3136xf32, #tpu.memory_space<vmem>>, vector<1x1x3136xf32>
    %get3A_15 = vector.shape_cast %get3A_14 : vector<1x1x3136xf32> to vector<3136xf32>
    %dot_general3A = arith.constant dense<0.000000e+00> : vector<392x3136xf32>
    %dot_general3A_16 = tpu.matmul %convert_element_type3A, %convert_element_type3A_9, %dot_general3A {dimension_numbers = #tpu.dot_dimension_numbers<[1], [1], [0], [0], [0, 0, 1, 0], [], []>, transpose_lhs_hint = false} : vector<392x768xbf16>, vector<3136x768xbf16>, vector<392x3136xf32> -> vector<392x3136xf32>
    %broadcast_in_dim3A_17 = vector.shape_cast %get3A_15 : vector<3136xf32> to vector<1x3136xf32>
    %add3A = vector.broadcast %broadcast_in_dim3A : vector<392x1xf32> to vector<392x3136xf32>
    %add3A_18 = vector.broadcast %broadcast_in_dim3A_17 : vector<1x3136xf32> to vector<392x3136xf32>
    %add3A_19 = arith.addf %add3A, %add3A_18 : vector<392x3136xf32>
    %mul3A_20 = arith.constant 2.000000e+00 : f32
    %mul3A_21 = vector.broadcast %mul3A_20 : f32 to vector<392x3136xf32>
    %mul3A_22 = arith.mulf %mul3A_21, %dot_general3A_16 : vector<392x3136xf32>
    %sub3A = arith.subf %add3A_19, %mul3A_22 : vector<392x3136xf32>
    %iota3A = tpu.iota {dimensions = array<i32: 1>} : vector<392x3136xi32>
    %reduce_min3A = arith.constant dense<0x7F800000> : vector<392xf32>
    %reduce_min3A_23 = vector.multi_reduction <minimumf>, %sub3A, %reduce_min3A [1] : vector<392x3136xf32> to vector<392xf32>
    %broadcast_in_dim3A_24 = vector.shape_cast %reduce_min3A_23 : vector<392xf32> to vector<392x1xf32>
    %eq3A = vector.broadcast %broadcast_in_dim3A_24 : vector<392x1xf32> to vector<392x3136xf32>
    %eq3A_25 = arith.cmpf oeq, %sub3A, %eq3A : vector<392x3136xf32>
    %jit3A = arith.constant 1073741824 : i32
    %broadcast_in_dim3A_26 = vector.broadcast %jit3A : i32 to vector<392x3136xi32>
    %select_n3A = arith.select %eq3A_25, %iota3A, %broadcast_in_dim3A_26 : vector<392x3136xi1>, vector<392x3136xi32>
    %reduce_min3A_27 = arith.constant dense<2147483647> : vector<392xi32>
    %reduce_min3A_28 = vector.multi_reduction <minsi>, %select_n3A, %reduce_min3A_27 [1] : vector<392x3136xi32> to vector<392xi32>
    %broadcast_in_dim3A_29 = vector.shape_cast %reduce_min3A_28 : vector<392xi32> to vector<392x1xi32>
    %eq3A_30 = vector.broadcast %broadcast_in_dim3A_29 : vector<392x1xi32> to vector<392x3136xi32>
    %eq3A_31 = arith.cmpi eq, %iota3A, %eq3A_30 : vector<392x3136xi32>
    %jit3A_32 = arith.constant 3.000000e+38 : f32
    %broadcast_in_dim3A_33 = vector.broadcast %jit3A_32 : f32 to vector<392x3136xf32>
    %select_n3A_34 = arith.select %eq3A_31, %broadcast_in_dim3A_33, %sub3A : vector<392x3136xi1>, vector<392x3136xf32>
    %reduce_min3A_35 = arith.constant dense<0x7F800000> : vector<392xf32>
    %reduce_min3A_36 = vector.multi_reduction <minimumf>, %select_n3A_34, %reduce_min3A_35 [1] : vector<392x3136xf32> to vector<392xf32>
    %broadcast_in_dim3A_37 = vector.shape_cast %reduce_min3A_36 : vector<392xf32> to vector<392x1xf32>
    %eq3A_38 = vector.broadcast %broadcast_in_dim3A_37 : vector<392x1xf32> to vector<392x3136xf32>
    %eq3A_39 = arith.cmpf oeq, %select_n3A_34, %eq3A_38 : vector<392x3136xf32>
    %jit3A_40 = arith.constant 1073741824 : i32
    %broadcast_in_dim3A_41 = vector.broadcast %jit3A_40 : i32 to vector<392x3136xi32>
    %select_n3A_42 = arith.select %eq3A_39, %iota3A, %broadcast_in_dim3A_41 : vector<392x3136xi1>, vector<392x3136xi32>
    %reduce_min3A_43 = arith.constant dense<2147483647> : vector<392xi32>
    %reduce_min3A_44 = vector.multi_reduction <minsi>, %select_n3A_42, %reduce_min3A_43 [1] : vector<392x3136xi32> to vector<392xi32>
    %broadcast_in_dim3A_45 = vector.shape_cast %reduce_min3A_44 : vector<392xi32> to vector<392x1xi32>
    %eq3A_46 = vector.broadcast %broadcast_in_dim3A_45 : vector<392x1xi32> to vector<392x3136xi32>
    %eq3A_47 = arith.cmpi eq, %iota3A, %eq3A_46 : vector<392x3136xi32>
    %jit3A_48 = arith.constant 3.000000e+38 : f32
    %broadcast_in_dim3A_49 = vector.broadcast %jit3A_48 : f32 to vector<392x3136xf32>
    %select_n3A_50 = arith.select %eq3A_47, %broadcast_in_dim3A_49, %select_n3A_34 : vector<392x3136xi1>, vector<392x3136xf32>
    %reduce_min3A_51 = arith.constant dense<0x7F800000> : vector<392xf32>
    %reduce_min3A_52 = vector.multi_reduction <minimumf>, %select_n3A_50, %reduce_min3A_51 [1] : vector<392x3136xf32> to vector<392xf32>
    %broadcast_in_dim3A_53 = vector.shape_cast %reduce_min3A_52 : vector<392xf32> to vector<392x1xf32>
    %eq3A_54 = vector.broadcast %broadcast_in_dim3A_53 : vector<392x1xf32> to vector<392x3136xf32>
    %eq3A_55 = arith.cmpf oeq, %select_n3A_50, %eq3A_54 : vector<392x3136xf32>
    %jit3A_56 = arith.constant 1073741824 : i32
    %broadcast_in_dim3A_57 = vector.broadcast %jit3A_56 : i32 to vector<392x3136xi32>
    %select_n3A_58 = arith.select %eq3A_55, %iota3A, %broadcast_in_dim3A_57 : vector<392x3136xi1>, vector<392x3136xi32>
    %reduce_min3A_59 = arith.constant dense<2147483647> : vector<392xi32>
    %reduce_min3A_60 = vector.multi_reduction <minsi>, %select_n3A_58, %reduce_min3A_59 [1] : vector<392x3136xi32> to vector<392xi32>
    %broadcast_in_dim3A_61 = vector.shape_cast %reduce_min3A_60 : vector<392xi32> to vector<392x1xi32>
    %eq3A_62 = vector.broadcast %broadcast_in_dim3A_61 : vector<392x1xi32> to vector<392x3136xi32>
    %eq3A_63 = arith.cmpi eq, %iota3A, %eq3A_62 : vector<392x3136xi32>
    %jit3A_64 = arith.constant 3.000000e+38 : f32
    %broadcast_in_dim3A_65 = vector.broadcast %jit3A_64 : f32 to vector<392x3136xf32>
    %select_n3A_66 = arith.select %eq3A_63, %broadcast_in_dim3A_65, %select_n3A_50 : vector<392x3136xi1>, vector<392x3136xf32>
    %reduce_min3A_67 = arith.constant dense<0x7F800000> : vector<392xf32>
    %reduce_min3A_68 = vector.multi_reduction <minimumf>, %select_n3A_66, %reduce_min3A_67 [1] : vector<392x3136xf32> to vector<392xf32>
    %broadcast_in_dim3A_69 = vector.shape_cast %reduce_min3A_68 : vector<392xf32> to vector<392x1xf32>
    %eq3A_70 = vector.broadcast %broadcast_in_dim3A_69 : vector<392x1xf32> to vector<392x3136xf32>
    %eq3A_71 = arith.cmpf oeq, %select_n3A_66, %eq3A_70 : vector<392x3136xf32>
    %jit3A_72 = arith.constant 1073741824 : i32
    %broadcast_in_dim3A_73 = vector.broadcast %jit3A_72 : i32 to vector<392x3136xi32>
    %select_n3A_74 = arith.select %eq3A_71, %iota3A, %broadcast_in_dim3A_73 : vector<392x3136xi1>, vector<392x3136xi32>
    %reduce_min3A_75 = arith.constant dense<2147483647> : vector<392xi32>
    %reduce_min3A_76 = vector.multi_reduction <minsi>, %select_n3A_74, %reduce_min3A_75 [1] : vector<392x3136xi32> to vector<392xi32>
    %broadcast_in_dim3A_77 = vector.shape_cast %reduce_min3A_76 : vector<392xi32> to vector<392x1xi32>
    %eq3A_78 = vector.broadcast %broadcast_in_dim3A_77 : vector<392x1xi32> to vector<392x3136xi32>
    %eq3A_79 = arith.cmpi eq, %iota3A, %eq3A_78 : vector<392x3136xi32>
    %jit3A_80 = arith.constant 3.000000e+38 : f32
    %broadcast_in_dim3A_81 = vector.broadcast %jit3A_80 : f32 to vector<392x3136xf32>
    %select_n3A_82 = arith.select %eq3A_79, %broadcast_in_dim3A_81, %select_n3A_66 : vector<392x3136xi1>, vector<392x3136xf32>
    %reduce_min3A_83 = arith.constant dense<0x7F800000> : vector<392xf32>
    %reduce_min3A_84 = vector.multi_reduction <minimumf>, %select_n3A_82, %reduce_min3A_83 [1] : vector<392x3136xf32> to vector<392xf32>
    %broadcast_in_dim3A_85 = vector.shape_cast %reduce_min3A_84 : vector<392xf32> to vector<392x1xf32>
    %eq3A_86 = vector.broadcast %broadcast_in_dim3A_85 : vector<392x1xf32> to vector<392x3136xf32>
    %eq3A_87 = arith.cmpf oeq, %select_n3A_82, %eq3A_86 : vector<392x3136xf32>
    %jit3A_88 = arith.constant 1073741824 : i32
    %broadcast_in_dim3A_89 = vector.broadcast %jit3A_88 : i32 to vector<392x3136xi32>
    %select_n3A_90 = arith.select %eq3A_87, %iota3A, %broadcast_in_dim3A_89 : vector<392x3136xi1>, vector<392x3136xi32>
    %reduce_min3A_91 = arith.constant dense<2147483647> : vector<392xi32>
    %reduce_min3A_92 = vector.multi_reduction <minsi>, %select_n3A_90, %reduce_min3A_91 [1] : vector<392x3136xi32> to vector<392xi32>
    %broadcast_in_dim3A_93 = vector.shape_cast %reduce_min3A_92 : vector<392xi32> to vector<392x1xi32>
    %eq3A_94 = vector.broadcast %broadcast_in_dim3A_93 : vector<392x1xi32> to vector<392x3136xi32>
    %eq3A_95 = arith.cmpi eq, %iota3A, %eq3A_94 : vector<392x3136xi32>
    %jit3A_96 = arith.constant 3.000000e+38 : f32
    %broadcast_in_dim3A_97 = vector.broadcast %jit3A_96 : f32 to vector<392x3136xf32>
    %select_n3A_98 = arith.select %eq3A_95, %broadcast_in_dim3A_97, %select_n3A_82 : vector<392x3136xi1>, vector<392x3136xf32>
    %reduce_min3A_99 = arith.constant dense<0x7F800000> : vector<392xf32>
    %reduce_min3A_100 = vector.multi_reduction <minimumf>, %select_n3A_98, %reduce_min3A_99 [1] : vector<392x3136xf32> to vector<392xf32>
    %broadcast_in_dim3A_101 = vector.shape_cast %reduce_min3A_100 : vector<392xf32> to vector<392x1xf32>
    %eq3A_102 = vector.broadcast %broadcast_in_dim3A_101 : vector<392x1xf32> to vector<392x3136xf32>
    %eq3A_103 = arith.cmpf oeq, %select_n3A_98, %eq3A_102 : vector<392x3136xf32>
    %jit3A_104 = arith.constant 1073741824 : i32
    %broadcast_in_dim3A_105 = vector.broadcast %jit3A_104 : i32 to vector<392x3136xi32>
    %select_n3A_106 = arith.select %eq3A_103, %iota3A, %broadcast_in_dim3A_105 : vector<392x3136xi1>, vector<392x3136xi32>
    %reduce_min3A_107 = arith.constant dense<2147483647> : vector<392xi32>
    %reduce_min3A_108 = vector.multi_reduction <minsi>, %select_n3A_106, %reduce_min3A_107 [1] : vector<392x3136xi32> to vector<392xi32>
    %broadcast_in_dim3A_109 = vector.shape_cast %reduce_min3A_108 : vector<392xi32> to vector<392x1xi32>
    %eq3A_110 = vector.broadcast %broadcast_in_dim3A_109 : vector<392x1xi32> to vector<392x3136xi32>
    %eq3A_111 = arith.cmpi eq, %iota3A, %eq3A_110 : vector<392x3136xi32>
    %jit3A_112 = arith.constant 3.000000e+38 : f32
    %broadcast_in_dim3A_113 = vector.broadcast %jit3A_112 : f32 to vector<392x3136xf32>
    %select_n3A_114 = arith.select %eq3A_111, %broadcast_in_dim3A_113, %select_n3A_98 : vector<392x3136xi1>, vector<392x3136xf32>
    %reduce_min3A_115 = arith.constant dense<0x7F800000> : vector<392xf32>
    %reduce_min3A_116 = vector.multi_reduction <minimumf>, %select_n3A_114, %reduce_min3A_115 [1] : vector<392x3136xf32> to vector<392xf32>
    %broadcast_in_dim3A_117 = vector.shape_cast %reduce_min3A_116 : vector<392xf32> to vector<392x1xf32>
    %eq3A_118 = vector.broadcast %broadcast_in_dim3A_117 : vector<392x1xf32> to vector<392x3136xf32>
    %eq3A_119 = arith.cmpf oeq, %select_n3A_114, %eq3A_118 : vector<392x3136xf32>
    %jit3A_120 = arith.constant 1073741824 : i32
    %broadcast_in_dim3A_121 = vector.broadcast %jit3A_120 : i32 to vector<392x3136xi32>
    %select_n3A_122 = arith.select %eq3A_119, %iota3A, %broadcast_in_dim3A_121 : vector<392x3136xi1>, vector<392x3136xi32>
    %reduce_min3A_123 = arith.constant dense<2147483647> : vector<392xi32>
    %reduce_min3A_124 = vector.multi_reduction <minsi>, %select_n3A_122, %reduce_min3A_123 [1] : vector<392x3136xi32> to vector<392xi32>
    %broadcast_in_dim3A_125 = vector.shape_cast %reduce_min3A_124 : vector<392xi32> to vector<392x1xi32>
    %eq3A_126 = vector.broadcast %broadcast_in_dim3A_125 : vector<392x1xi32> to vector<392x3136xi32>
    %eq3A_127 = arith.cmpi eq, %iota3A, %eq3A_126 : vector<392x3136xi32>
    %jit3A_128 = arith.constant 3.000000e+38 : f32
    %broadcast_in_dim3A_129 = vector.broadcast %jit3A_128 : f32 to vector<392x3136xf32>
    %select_n3A_130 = arith.select %eq3A_127, %broadcast_in_dim3A_129, %select_n3A_114 : vector<392x3136xi1>, vector<392x3136xf32>
    %reduce_min3A_131 = arith.constant dense<0x7F800000> : vector<392xf32>
    %reduce_min3A_132 = vector.multi_reduction <minimumf>, %select_n3A_130, %reduce_min3A_131 [1] : vector<392x3136xf32> to vector<392xf32>
    %broadcast_in_dim3A_133 = vector.shape_cast %reduce_min3A_132 : vector<392xf32> to vector<392x1xf32>
    %eq3A_134 = vector.broadcast %broadcast_in_dim3A_133 : vector<392x1xf32> to vector<392x3136xf32>
    %eq3A_135 = arith.cmpf oeq, %select_n3A_130, %eq3A_134 : vector<392x3136xf32>
    %jit3A_136 = arith.constant 1073741824 : i32
    %broadcast_in_dim3A_137 = vector.broadcast %jit3A_136 : i32 to vector<392x3136xi32>
    %select_n3A_138 = arith.select %eq3A_135, %iota3A, %broadcast_in_dim3A_137 : vector<392x3136xi1>, vector<392x3136xi32>
    %reduce_min3A_139 = arith.constant dense<2147483647> : vector<392xi32>
    %reduce_min3A_140 = vector.multi_reduction <minsi>, %select_n3A_138, %reduce_min3A_139 [1] : vector<392x3136xi32> to vector<392xi32>
    %broadcast_in_dim3A_141 = vector.shape_cast %reduce_min3A_140 : vector<392xi32> to vector<392x1xi32>
    %eq3A_142 = vector.broadcast %broadcast_in_dim3A_141 : vector<392x1xi32> to vector<392x3136xi32>
    %eq3A_143 = arith.cmpi eq, %iota3A, %eq3A_142 : vector<392x3136xi32>
    %jit3A_144 = arith.constant 3.000000e+38 : f32
    %broadcast_in_dim3A_145 = vector.broadcast %jit3A_144 : f32 to vector<392x3136xf32>
    %select_n3A_146 = arith.select %eq3A_143, %broadcast_in_dim3A_145, %select_n3A_130 : vector<392x3136xi1>, vector<392x3136xf32>
    %reduce_min3A_147 = arith.constant dense<0x7F800000> : vector<392xf32>
    %reduce_min3A_148 = vector.multi_reduction <minimumf>, %select_n3A_146, %reduce_min3A_147 [1] : vector<392x3136xf32> to vector<392xf32>
    %broadcast_in_dim3A_149 = vector.shape_cast %reduce_min3A_148 : vector<392xf32> to vector<392x1xf32>
    %eq3A_150 = vector.broadcast %broadcast_in_dim3A_149 : vector<392x1xf32> to vector<392x3136xf32>
    %eq3A_151 = arith.cmpf oeq, %select_n3A_146, %eq3A_150 : vector<392x3136xf32>
    %jit3A_152 = arith.constant 1073741824 : i32
    %broadcast_in_dim3A_153 = vector.broadcast %jit3A_152 : i32 to vector<392x3136xi32>
    %select_n3A_154 = arith.select %eq3A_151, %iota3A, %broadcast_in_dim3A_153 : vector<392x3136xi1>, vector<392x3136xi32>
    %reduce_min3A_155 = arith.constant dense<2147483647> : vector<392xi32>
    %reduce_min3A_156 = vector.multi_reduction <minsi>, %select_n3A_154, %reduce_min3A_155 [1] : vector<392x3136xi32> to vector<392xi32>
    %broadcast_in_dim3A_157 = vector.shape_cast %reduce_min3A_156 : vector<392xi32> to vector<392x1xi32>
    %broadcast_in_dim3A_158 = arith.constant 0 : i32
    %broadcast_in_dim3A_159 = vector.broadcast %broadcast_in_dim3A_158 : i32 to vector<392x7xi32>
    %concatenate3A = tpu.concatenate %broadcast_in_dim3A_29, %broadcast_in_dim3A_45, %broadcast_in_dim3A_61, %broadcast_in_dim3A_77, %broadcast_in_dim3A_93, %broadcast_in_dim3A_109, %broadcast_in_dim3A_125, %broadcast_in_dim3A_141, %broadcast_in_dim3A_157, %broadcast_in_dim3A_159 in 1 : vector<392x1xi32>, vector<392x1xi32>, vector<392x1xi32>, vector<392x1xi32>, vector<392x1xi32>, vector<392x1xi32>, vector<392x1xi32>, vector<392x1xi32>, vector<392x1xi32>, vector<392x7xi32> -> vector<392x16xi32>
    %swap3A = arith.constant 0 : index
    %swap3A_160 = arith.constant 0 : index
    %swap3A_161 = arith.constant 0 : index
    %swap3A_162 = vector.load %arg5[%swap3A, %swap3A_160, %swap3A_161] : memref<1x392x16xi32, #tpu.memory_space<vmem>>, vector<1x392x16xi32>
    %swap3A_163 = vector.shape_cast %swap3A_162 : vector<1x392x16xi32> to vector<392x16xi32>
    %swap3A_164 = vector.shape_cast %concatenate3A : vector<392x16xi32> to vector<1x392x16xi32>
    tpu.vector_store %arg5[%swap3A, %swap3A_160, %swap3A_161], %swap3A_164 {strides = array<i32>} : memref<1x392x16xi32, #tpu.memory_space<vmem>>, vector<1x392x16xi32>,
    return
  }
  func.func @transform_0(%arg0: i32, %arg1: i32) -> (i32, i32, i32) {
    %c0_i32 = arith.constant 0 : i32
    %c0_i32_0 = arith.constant 0 : i32
    return %arg0, %arg1, %c0_i32 : i32, i32, i32
  }
  func.func @transform_1(%arg0: i32, %arg1: i32) -> (i32, i32, i32) {
    %c0_i32 = arith.constant 0 : i32
    %c0_i32_0 = arith.constant 0 : i32
    %c0_i32_1 = arith.constant 0 : i32
    return %arg0, %c0_i32, %c0_i32_0 : i32, i32, i32
  }
  func.func @transform_2(%arg0: i32, %arg1: i32) -> (i32, i32, i32) {
    %c0_i32 = arith.constant 0 : i32
    %c0_i32_0 = arith.constant 0 : i32
    %c0_i32_1 = arith.constant 0 : i32
    return %arg0, %c0_i32, %c0_i32_0 : i32, i32, i32
  }
  func.func @transform_3(%arg0: i32, %arg1: i32) -> (i32, i32, i32) {
    %c0_i32 = arith.constant 0 : i32
    %c0_i32_0 = arith.constant 0 : i32
    return %arg0, %arg1, %c0_i32 : i32, i32, i32
  }
}

</mosaic_0001>

<sc_bundles>
// kernel: kernel.4.cloned.1.call-start
scs
__scs_entry_jumppad:
0x0: {  	(pc) =	sbr.rel $0x88, $3  }
0x1: {  	(tag) =	ssettag $0x0;
	lr =	simm.s32 $0x1  }
0x2: {  	[smem:$0x3F79] =	sst lr;
	_ =	strace $0xD0000000  }
0x3: {  	_ = 	snop  }
0x4: {  	_ = 	snop  }
0x5: {  	_ = 	snop  }
0x6: {  	_ = 	snop  }
0x7: {  	_ = 	snop  }
__scs_overlays_trampoline_lowered:
0x8: {  	[smem:$0x3F88] =	sst s0  }
0x9: {  	[smem:$0x3F89] =	sst s1  }
0xa: {  	[smem:$0x3F8A] =	sst s2  }
0xb: {  	[smem:$0x3F8B] =	sst s3  }
0xc: {  	[smem:$0x3F8C] =	sst s4  }
0xd: {  	[smem:$0x3F8D] =	sst s5  }
0xe: {  	[smem:$0x3F8E] =	sst s6  }
0xf: {  	[smem:$0x3F8F] =	sst s7  }
0x10: {  	[smem:$0x3F90] =	sst s8  }
0x11: {  	[smem:$0x3F91] =	sst s9;
	s0 =	simm.s32 @!p0 $0x0  }
0x12: {  	s1 =	sld [smem:$0x3F77];
	s0 =	simm.s32 @p0 $0x1  }
0x13: {  	[smem:$0x3F92] =	sst s0;
	s0 =	simm.s32 @!p1 $0x0  }
0x14: {  	s2 =	sld [smem:$0x3F76];
	s0 =	simm.s32 @p1 $0x1  }
0x15: {  	[smem:$0x3F93] =	sst s0;
	s0 =	simm.s32 @!p2 $0x0  }
0x16: {  	s3 =	sld [smem:$0x3FDB];
	s0 =	simm.s32 @p2 $0x1  }
0x17: {  	s4 =	simm.s32 $0x1BF5;
	[smem:$0x3F95] =	sst s0  }
0x18: {  	s0 =	sld [smem:$0x3F78];
	_ =	swait.ge [sflag:s4], $0x0  }
0x19: {  	s7 =	sld [smem:$0x3F79]  }
0x1a: {  	s8 =	sadd.s32 $0xFFFFE003, lr  }
0x1b: {  	s9 =	sadd.s32 $0xFFFFFEF7, lr;
	s5 =	simm.s32 $0xFFFFFFFF;
	p2 =	slt.u32 s8, $0xFFFFF086  }
0x1c: {  	p1 =	slt.u32 s9, $0xF7A;
	s5 =	simm.s32 @!p2 $0x0  }
0x1d: {  	s5 =	simm.s32 @p1 $0x1;
	p0 =	seq.s32 s7, s2  }
0x1e: {  	s7 =	smul.u32 @!p0 $0xF7A, s2;
	p2 =	seq.s32 @!p0 s5, $0x0  }
0x1f: {  	s9 =	smul.u32 $0xF7A, s1;
	s8 =	simm.s32 @!p0 $0x1BF5;
	p2 =	por !p2, p0  }
0x20: {  	[sflag:s8] =	ssyncset.s32 @!p0 $0xFFFFF086;
	s6 =	sadd.s32 @!p0 s3, s7;
	s7 =	simm.s32 @!p0 $0x108  }
0x21: {  	s3 =	sadd.s32 s3, s9;
	s6 =	sadd.s32 @!p0 $0x88, s6;
	s7 =	simm.s32 @p2 $0x1082  }
0x22: {  	[simem:s7], [sflag:s8] =	dma.local @!p0 [hbm:s6], $0xF7A  }
0x23: {  	s9 =	sor.u32 $0xD0000000, s2;
	s6 =	simm.s32 $0x108;
	_ =	swait.ge @!p0 [sflag:s8], $0x0  }
0x24: {  	s3 =	sadd.s32 $0x88, s3;
	s6 =	simm.s32 @!p1 $0x1082;
	[sflag:s4] =	ssyncset.s32 $0xFFFFF086  }
0x25: {  	[simem:s6], [sflag:s4] =	dma.local [hbm:s3], $0xF7A  }
0x26: {  	[smem:$0x3F79] =	sst s1;
	(tag) =	ssettag s2;
	_ =	strace s9  }
0x27: {  	s1 =	sld [smem:$0x3F89]  }
0x28: {  	s2 =	sld [smem:$0x3F8A]  }
0x29: {  	s4 =	sld [smem:$0x3F8C]  }
0x2a: {  	p0 =	seq.s32 s5, $0x0;
	s5 =	sld [smem:$0x3F8D]  }
0x2b: {  	s6 =	sld [smem:$0x3F8E]  }
0x2c: {  	s7 =	sld [smem:$0x3F8F]  }
0x2d: {  	s3 =	simm.s32 $0x108;
	s8 =	sld [smem:$0x3F90]  }
0x2e: {  	s3 =	simm.s32 @!p0 $0x1082;
	s9 =	sld [smem:$0x3F91]  }
0x2f: {  	lr =	sadd.s32 s0, s3;
	s0 =	sld [smem:$0x3F88]  }
0x30: {  	s3 =	sld [smem:$0x3F8B]  }
0x31: {  	[smem:$0x3F94] =	sst s10  }
0x32: {  	s10 =	sld [smem:$0x3F92];
	_ =	sdelay $0x3  }
0x33: {  	p0 =	seq.s32 s10, $0x1;
	s10 =	sld [smem:$0x3F94];
	_ =	sdelay $0x3  }
0x34: {  	[smem:$0x3F94] =	sst s10  }
0x35: {  	s10 =	sld [smem:$0x3F93];
	_ =	sdelay $0x3  }
0x36: {  	p1 =	seq.s32 s10, $0x1;
	s10 =	sld [smem:$0x3F94];
	_ =	sdelay $0x3  }
0x37: {  	[smem:$0x3F94] =	sst s10  }
0x38: {  	s10 =	sld [smem:$0x3F95]  }
0x39: {  	_ = 	snop;
	(pc) =	sbr.ind lr, $3  }
0x3a: {  	_ = 	snop  }
0x3b: {  	_ = 	snop  }
0x3c: {  	p2 =	seq.s32 s10, $0x1;
	s10 =	sld [smem:$0x3F94]  }
0x3d: {  	_ =	shalt  }
0x3e: {  	_ =	shalt  }
0x3f: {  	_ =	shalt  }
0x40: {  	_ =	shalt  }
0x41: {  	_ =	shalt  }
0x42: {  	_ =	shalt  }
0x43: {  	_ =	shalt  }
0x44: {  	_ =	shalt  }
0x45: {  	_ =	shalt  }
0x46: {  	_ =	shalt  }
0x47: {  	_ =	shalt  }
0x48: {  	_ =	shalt  }
0x49: {  	_ =	shalt  }
0x4a: {  	_ =	shalt  }
0x4b: {  	_ =	shalt  }
0x4c: {  	_ =	shalt  }
0x4d: {  	_ =	shalt  }
0x4e: {  	_ =	shalt  }
0x4f: {  	_ =	shalt  }
0x50: {  	_ =	shalt  }
0x51: {  	_ =	shalt  }
0x52: {  	_ =	shalt  }
0x53: {  	_ =	shalt  }
0x54: {  	_ =	shalt  }
0x55: {  	_ =	shalt  }
0x56: {  	_ =	shalt  }
0x57: {  	_ =	shalt  }
0x58: {  	_ =	shalt  }
0x59: {  	_ =	shalt  }
0x5a: {  	_ =	shalt  }
0x5b: {  	_ =	shalt  }
0x5c: {  	_ =	shalt  }
0x5d: {  	_ =	shalt  }
0x5e: {  	_ =	shalt  }
0x5f: {  	_ =	shalt  }
0x60: {  	_ =	shalt  }
0x61: {  	_ =	shalt  }
0x62: {  	_ =	shalt  }
0x63: {  	_ =	shalt  }
0x64: {  	_ =	shalt  }
0x65: {  	_ =	shalt  }
0x66: {  	_ =	shalt  }
0x67: {  	_ =	shalt  }
0x68: {  	_ =	shalt  }
0x69: {  	_ =	shalt  }
0x6a: {  	_ =	shalt  }
0x6b: {  	_ =	shalt  }
0x6c: {  	_ =	shalt  }
0x6d: {  	_ =	shalt  }
0x6e: {  	_ =	shalt  }
0x6f: {  	_ =	shalt  }
0x70: {  	_ =	shalt  }
0x71: {  	_ =	shalt  }
0x72: {  	_ =	shalt  }
0x73: {  	_ =	shalt  }
0x74: {  	_ =	shalt  }
0x75: {  	_ =	shalt  }
0x76: {  	_ =	shalt  }
0x77: {  	_ =	shalt  }
0x78: {  	_ =	shalt  }
0x79: {  	_ =	shalt  }
0x7a: {  	_ =	shalt  }
0x7b: {  	_ =	shalt  }
0x7c: {  	_ =	shalt  }
0x7d: {  	_ =	shalt  }
0x7e: {  	_ =	shalt  }
0x7f: {  	_ =	shalt  }
0x80: {  	_ =	shalt  }
0x81: {  	_ =	shalt  }
0x82: {  	_ =	shalt  }
0x83: {  	_ =	shalt  }
0x84: {  	_ =	shalt  }
0x85: {  	_ =	shalt  }
0x86: {  	_ =	shalt  }
0x87: {  	_ =	shalt  }
.Lfunc_end0:
.L_simem_size_0:
called_computation_lowered:
.L_overlay_start_0:
0x88: {  	s2 =	sld [smem:$0x3FD9]  }
0x89: {  	s3 =	sld [smem:$0x3FFE];
	_ =	sdelay $0x1  }
0x8a: {  	s1 =	srdreg.scid  }
0x8b: {  	s0 =	sand.u32 $0x1, s1  }
0x8c: {  	s16 =	sshll.u32 s0, $0xA;
	s2 =	sadd.s32 s3, s2  }
0x8d: {  	s2 =	sadd.s32 s2, s16  }
0x8e: {  	[smem:$0x3FA0] =	sst s2  }
0x8f: {  	_ = 	snop  }
0x90: {  	(tm) =	ssettm $0x1  }
0x91: {  	s17 =	sld [smem:$0x3FFB];
	_ =	sdelay $0x3  }
0x92: {  	_ =	strace s17  }
0x93: {  	s2 =	sld [smem:$0x3FFC];
	_ =	sdelay $0x3  }
0x94: {  	_ =	strace s2  }
0x95: {  	s2 =	sld [smem:$0x3FFD];
	_ =	sdelay $0x3  }
0x96: {  	_ =	strace s2  }
0x97: {  	_ =	strace $0x8FFFFFFF  }
0x98: {  	s18 =	sld [smem:$0x3FDB];
	_ =	sdelay $0x1  }
0x99: {  	s19 =	simm.s32 $_scs_section_size  }
0x9a: {  	s4 =	simm.s32 $_size__tile_overlayer_lowered;
	s5 =	simm.s32 $_tile_overlayer_lowered  }
0x9b: {  	s22 =	simm.s32 $0x1BFF;
	s21 =	sshll.u32 s5, $0x1;
	s2 =	sadd.s32 s19, s18  }
0x9c: {  	s6 =	simm.s32 $0x0;
	s20 =	sshll.u32 s4, $0x1;
	s4 =	sadd.s32 s21, s2  }
0x9d: {  	[timem:s6], [sflag:s22] =	dma.local [hbm:s4], s20  }
0x9e: {  	_ =	swait.ge [sflag:s22], s20  }
0x9f: {  	s3 =	ssub.s32 $0x0, s20;
	[sflag:s22] =	ssyncset.done $0x0  }
0xa0: {  	[sflag:s22] =	ssyncadd.s32 s3;
	_ =	sdelay $0x1  }
0xa1: {  	s23 =	simm.s32 $0x1B8B  }
0xa2: {  	_ =	swait.ge [sflag:s23], $0x1  }
0xa3: {  	[sflag:s23] =	ssyncset.done $0x0  }
0xa4: {  	s25 =	simm.s32 $0x1B8E;
	s24 =	sld [smem:$0x3FFE];
	[sflag:s23] =	ssyncadd.s32 $0xFFFFFFFF  }
0xa5: {  	s26 =	simm.s32 $execute0_lowered;
	[smem:$0x3FD2] =	sst s25  }
0xa6: {  	s4 =	sshll.u32 s26, $0x1;
	_ =	strace $0x80000046;
	[dreg:$0x1] =	wrdreg $0xFFFFFFFF  }
0xa7: {  	s28 =	simm.s32 $_size_execute0_lowered;
	s2 =	sadd.s32 s2, s4;
	[dreg:$0x0] =	wrdreg $0x0  }
0xa8: {  	s4 =	sshll.u32 s28, $0x1;
	[dreg:$0x2] =	wrdreg s2  }
0xa9: {  	[dreg:$0x3] =	wrdreg s4  }
0xaa: {  	[dreg:$0x4] =	wrdreg $0xC0  }
0xab: {  	_ =	task [dreg:s6], $0x5FFFF  }
0xac: {  	[dreg:$0x1] =	wrdreg $0xFFFFFFFF  }
0xad: {  	[dreg:$0x0] =	wrdreg $0x60  }
0xae: {  	[dreg:$0x2] =	wrdreg s24  }
0xaf: {  	[dreg:$0x3] =	wrdreg $0x9  }
0xb0: {  	_ =	task.clear_ibuf [dreg:s6], $0x4FFFF;
	_ =	strace $0x90000046  }
0xb1: {  	s29 =	simm.s32 $0x9;
	_ =	strace $0x80000048  }
0xb2: {  	_ =	swait.ge [sflag:s29], $0x1  }
0xb3: {  	[sflag:s29] =	ssyncadd.s32 $0xFFFFFFFF  }
0xb4: {  	_ =	strace $0x90000048  }
0xb5: {  	_ =	sfence  }
0xb6: {  	s30 =	sld [smem:$0x0];
	_ =	sdelay $0x2  }
0xb7: {  	s31 =	sshll.u32 s1, $0xD;
	s1 =	sshrl.u32 s1, $0x2  }
0xb8: {  	s3 =	sand.u32 $0x4000, s31;
	s1 =	sadd.s32 s1, s30  }
0xb9: {  	s0 =	sor.u32 s3, s0;
	s1 =	sshll.u32 s1, $0x11  }
0xba: {  	s0 =	sor.u32 s1, s0  }
0xbb: {  	s0 =	sadd.s32 $0x8F2B, s0  }
0xbc: {  	[sflag:s0] =	ssyncadd.remote.s32 $0x1  }
0xbd: {  	_ =	sfence.sel $0xFFFF  }
0xbe: {  	[dreg:$0x0] =	wrdreg $0xFFFFFFFF;
	(pc) =	sbr.abs _section_cstart, $3  }
0xbf: {  	[dreg:$0x1] =	wrdreg $0xFFFFFFFF  }
0xc0: {  	_ =	task.clear_ibuf [dreg:s6], $0x2FFFF;
	_ =	strace $0x9FFFFFFF  }
0xc1: {  	(tm) =	ssettm $0x7FFFFFFF  }
tec
execute0_lowered:
.L_overlay_start_1:
0x0: {  	(tag) =	ssettag $0x1  }
0x1: {  	s1 =	srdreg.scid  }
0x2: {  	s0 =	stileid.u32;
	s7 =	rddreg [dreg:$0x0];
	s2 =	simm.s32 $0x0  }
0x3: {  	s13 =	simm.s32 $0x7A8;
	s14 =	simm.s32 $0x1;
	s15 =	simm.s32 $0xF7A8  }
0x4: {  	s16 =	simm.s32 $0x10FA8;
	s17 =	simm.s32 $0x127A8;
	s18 =	simm.s32 $0x13FA8  }
0x5: {  	s19 =	simm.s32 $0x0;
	s5 =	sand.u32 $0x1, s1;
	s31 =	sshll.u32 s0, $0x1  }
0x6: {  	s1 =	rddreg [dreg:$0x1];
	s3 =	sadd.s32 $0x298A00, s7;
	s8 =	sor.u32 s5, s31  }
0x7: {  	[smem:$0x7FF] =	sst s2;
	s6 =	sadd.s32 $0x172A00, s7;
	s4 =	smul.u32 $0xF5, s8  }
0x8: {  	_ =	strace $0x80000047;
	s11 =	ssub.s32 $0x2, s5;
	s10 =	smul.u32 $0xC0, s8  }
0x9: {  	s5 =	sadd.s32 $0x4E6200, s7;
	s12 =	sshrl.u32 s11, $0x1;
	s8 =	smul.u32 $0x31, s8  }
0xa: {  	s11 =	ssub.s32 s11, s12;
	s12 =	simm.s32 $0x28;
	s9 =	sadd.s32 s4, s7  }
0xb: {  	s4 =	sadd.s32 $0x3BEA00, s7;
	s10 =	sadd.s32 s10, s7;
	s7 =	sadd.s32 $0x170A00, s9  }
0xc: {  	v0 =	vimm.f32 $0.0e+00;
	s9 =	sadd.s32 $0x4E4A00, s10;
	s10 =	smax.u32 s11, $0x1;
	s11 =	simm.s32 $0x2  }
.LBB2_1:
0xd: {  	[tilespmem:s2], [sflag:$0x2] =	stream.linear.gather [hbm4b:s7+s2], $0x7A8, $0x38;
	[tilespmem:$0x145A8] =	vst v63  }
0xe: {  	_ =	swait.ge [sflag:s11], $0x7A8  }
0xf: {  	[sflag:s11] =	ssyncset.done $0x0  }
0x10: {  	s20 =	simm.s32 $0x40;
	s21 =	simm.s32 $0x0;
	[sflag:s11] =	ssyncadd.s32 $0xFFFFF858  }
.LBB2_2:
0x11: {  	p0 =	sne.s32 s20, $0x17C0;
	[tilespmem:s21+$0x13FA8] =	vst v0;
	s21 =	smov.u32 s20;
	s20 =	sadd.s32 $0x40, s20  }
.Ltmp0:
0x12: {  	(pc) =	sbr.rel @p0 .LBB2_2-.Ltmp0, $2  }
0x13: {  	_ =	sdelay $0x2  }
0x14: {  	s21 =	sshra.s32 s21, $0x2  }
0x15: {  	[tilespmem:s21+$0x13FA8] =	vst v0;
	s20 =	simm.s32 $0x0  }
.LBB2_4:
0x16: {  	s21 =	smul.u32 $0xA0, s20;
	_ =	sdelay $0x1  }
0x17: {  	s21 =	sshra.s32 s21, $0x2  }
0x18: {  	[tilespmem:s13], [sflag:$0x1] =	stream.indirect.gather [hbm4b:s3+s12], $0x600, s21, s12, $0xb8;
	[tilespmem:$0x145A8] =	vst v63  }
0x19: {  	_ =	swait.ge [sflag:s14], $0xF000  }
0x1a: {  	[sflag:s14] =	ssyncset.done $0x0  }
0x1b: {  	s21 =	simm.s32 $0x0;
	[sflag:s14] =	ssyncadd.s32 $0xFFFF1000  }
0x1c: {  	v1 =	vld [tilespmem:s21+$0x7A8]  }
0x1d: {  	v2 =	vld [tilespmem:s21+$0xDA8]  }
0x1e: {  	v3 =	vld [tilespmem:s21+$0x13A8]  }
0x1f: {  	v4 =	vld [tilespmem:s21+$0x13FA8];
	_ =	sdelay $0x1  }
0x20: {  	v5 =	vld [tilespmem:s21+$0x19A8]  }
0x21: {  	v6 =	vadd.f32 v2, v1;
	v7 =	vmul.f32 v1, v1  }
0x22: {  	v8 =	vld [tilespmem:s21+$0x1FA8]  }
0x23: {  	v27 =	vmul.f32 v2, v2;
	v6 =	vadd.f32 v3, v6;
	v4 =	vadd.f32 v7, v4  }
0x24: {  	v9 =	vld [tilespmem:s21+$0x25A8]  }
0x25: {  	v28 =	vmul.f32 v3, v3;
	v6 =	vadd.f32 v5, v6;
	v4 =	vadd.f32 v27, v4  }
0x26: {  	v10 =	vld [tilespmem:s21+$0x2BA8];
	v29 =	vmul.f32 v5, v5  }
0x27: {  	v12 =	vmax.f32 v1, v2;
	v6 =	vadd.f32 v8, v6;
	v4 =	vadd.f32 v28, v4  }
0x28: {  	v11 =	vld [tilespmem:s21+$0x31A8];
	v1 =	vmin.f32 v1, v2;
	v31 =	vmul.f32 v8, v8;
	v30 =	vmax.f32 v12, v3  }
0x29: {  	v1 =	vmin.f32 v1, v3;
	v2 =	vadd.f32 v9, v6;
	v4 =	vadd.f32 v29, v4  }
0x2a: {  	v32 =	vld [tilespmem:s21+$0x37A8];
	v3 =	vmax.f32 v30, v5;
	v1 =	vmin.f32 v1, v5  }
0x2b: {  	v5 =	vmul.f32 v9, v9;
	v2 =	vadd.f32 v10, v2;
	v4 =	vadd.f32 v31, v4  }
0x2c: {  	v3 =	vmax.f32 v3, v8  }
0x2d: {  	v2 =	vadd.f32 v11, v2;
	v4 =	vadd.f32 v5, v4;
	v5 =	vmul.f32 v10, v10  }
0x2e: {  	v33 =	vld [tilespmem:s21+$0x3DA8];
	v1 =	vmin.f32 v1, v8;
	v3 =	vmax.f32 v3, v9  }
0x2f: {  	v2 =	vadd.f32 v32, v2;
	v4 =	vadd.f32 v5, v4;
	v5 =	vmul.f32 v11, v11  }
0x30: {  	v34 =	vld [tilespmem:s21+$0x43A8];
	v1 =	vmin.f32 v1, v9;
	v3 =	vmax.f32 v3, v10  }
0x31: {  	v1 =	vmin.f32 v1, v10;
	[tilespmem:s21+$0x127A8] =	vst v2;
	v2 =	vadd.f32 v5, v4;
	v4 =	vmul.f32 v32, v32  }
0x32: {  	v35 =	vld [tilespmem:s21+$0x49A8];
	v3 =	vmax.f32 v3, v11;
	v1 =	vmin.f32 v1, v11  }
0x33: {  	v3 =	vmax.f32 v3, v32;
	v2 =	vadd.f32 v4, v2;
	v4 =	vmul.f32 v33, v33  }
0x34: {  	v1 =	vmin.f32 v1, v32;
	[tilespmem:s21+$0xF7A8] =	vst v3;
	v3 =	vld [tilespmem:s21+$0x4FA8]  }
0x35: {  	[tilespmem:s21+$0x10FA8] =	vst v1;
	v1 =	vadd.f32 v34, v33;
	v2 =	vadd.f32 v4, v2;
	v4 =	vmul.f32 v34, v34  }
0x36: {  	v5 =	vld [tilespmem:s21+$0x55A8]  }
0x37: {  	v1 =	vadd.f32 v35, v1;
	v2 =	vadd.f32 v4, v2;
	v4 =	vmul.f32 v35, v35  }
0x38: {  	v37 =	vld [tilespmem:s21+$0x5BA8];
	v36 =	vmax.f32 v33, v34  }
0x39: {  	v1 =	vadd.f32 v3, v1;
	v2 =	vadd.f32 v4, v2;
	v4 =	vmul.f32 v3, v3  }
0x3a: {  	v39 =	vld [tilespmem:s21+$0x61A8];
	v38 =	vmax.f32 v36, v35;
	v6 =	vmin.f32 v33, v34  }
0x3b: {  	v1 =	vadd.f32 v5, v1;
	v2 =	vadd.f32 v4, v2;
	v4 =	vmul.f32 v5, v5  }
0x3c: {  	v40 =	vld [tilespmem:s21+$0x67A8];
	v6 =	vmin.f32 v6, v35;
	v7 =	vmax.f32 v38, v3  }
0x3d: {  	v1 =	vadd.f32 v37, v1;
	v2 =	vadd.f32 v4, v2;
	v4 =	vmul.f32 v37, v37  }
0x3e: {  	v42 =	vld [tilespmem:s21+$0x6DA8];
	v41 =	vmax.f32 v7, v5;
	v3 =	vmin.f32 v6, v3  }
0x3f: {  	v1 =	vadd.f32 v39, v1;
	v2 =	vadd.f32 v4, v2;
	v4 =	vmul.f32 v39, v39  }
0x40: {  	v43 =	vld [tilespmem:s21+$0x73A8];
	v3 =	vmin.f32 v3, v5;
	v5 =	vmax.f32 v41, v37  }
0x41: {  	v1 =	vadd.f32 v40, v1;
	v2 =	vadd.f32 v4, v2;
	v4 =	vmul.f32 v40, v40  }
0x42: {  	v44 =	vld [tilespmem:s21+$0x79A8];
	v3 =	vmin.f32 v3, v37;
	v5 =	vmax.f32 v5, v39  }
0x43: {  	v1 =	vadd.f32 v42, v1;
	v2 =	vadd.f32 v4, v2;
	v4 =	vmul.f32 v42, v42  }
0x44: {  	v45 =	vld [tilespmem:s21+$0x7FA8];
	v3 =	vmin.f32 v3, v39;
	v5 =	vmax.f32 v5, v40  }
0x45: {  	[tilespmem:s21+$0x12DA8] =	vst v1;
	v1 =	vmin.f32 v3, v40;
	v3 =	vmul.f32 v43, v43;
	v2 =	vadd.f32 v4, v2  }
0x46: {  	v5 =	vmax.f32 v5, v42;
	v1 =	vmin.f32 v1, v42;
	v4 =	vld [tilespmem:s21+$0x85A8]  }
0x47: {  	[tilespmem:s21+$0x115A8] =	vst v1;
	v1 =	vadd.f32 v44, v43;
	v2 =	vadd.f32 v3, v2;
	v3 =	vmul.f32 v44, v44  }
0x48: {  	[tilespmem:s21+$0xFDA8] =	vst v5;
	v5 =	vld [tilespmem:s21+$0x8BA8]  }
0x49: {  	v1 =	vadd.f32 v45, v1;
	v2 =	vadd.f32 v3, v2;
	v3 =	vmul.f32 v45, v45  }
0x4a: {  	v46 =	vld [tilespmem:s21+$0x91A8];
	v49 =	vmax.f32 v43, v44;
	v6 =	vmin.f32 v43, v44  }
0x4b: {  	v1 =	vadd.f32 v4, v1;
	v2 =	vadd.f32 v3, v2;
	v3 =	vmul.f32 v4, v4  }
0x4c: {  	v47 =	vld [tilespmem:s21+$0x97A8];
	v50 =	vmax.f32 v49, v45;
	v6 =	vmin.f32 v6, v45  }
0x4d: {  	v1 =	vadd.f32 v5, v1;
	v2 =	vadd.f32 v3, v2;
	v3 =	vmul.f32 v5, v5  }
0x4e: {  	v48 =	vld [tilespmem:s21+$0x9DA8];
	v52 =	vmax.f32 v50, v4;
	v4 =	vmin.f32 v6, v4  }
0x4f: {  	v1 =	vadd.f32 v46, v1;
	v2 =	vadd.f32 v3, v2;
	v3 =	vmul.f32 v46, v46  }
0x50: {  	v51 =	vld [tilespmem:s21+$0xA3A8];
	v53 =	vmax.f32 v52, v5;
	v4 =	vmin.f32 v4, v5  }
0x51: {  	v1 =	vadd.f32 v47, v1;
	v2 =	vadd.f32 v3, v2;
	v3 =	vmul.f32 v47, v47  }
0x52: {  	v6 =	vmax.f32 v53, v46;
	v5 =	vld [tilespmem:s21+$0xA9A8];
	v4 =	vmin.f32 v4, v46  }
0x53: {  	v1 =	vadd.f32 v48, v1;
	v2 =	vadd.f32 v3, v2;
	v3 =	vmul.f32 v48, v48  }
0x54: {  	v54 =	vld [tilespmem:s21+$0xAFA8];
	v6 =	vmax.f32 v6, v47;
	v4 =	vmin.f32 v4, v47  }
0x55: {  	v1 =	vadd.f32 v51, v1;
	v2 =	vadd.f32 v3, v2;
	v3 =	vmul.f32 v51, v51  }
0x56: {  	v55 =	vld [tilespmem:s21+$0xB5A8];
	v6 =	vmax.f32 v6, v48;
	v4 =	vmin.f32 v4, v48  }
0x57: {  	[tilespmem:s21+$0x133A8] =	vst v1;
	v1 =	vmax.f32 v6, v51;
	v2 =	vadd.f32 v3, v2;
	v3 =	vmul.f32 v5, v5  }
0x58: {  	[tilespmem:s21+$0x103A8] =	vst v1;
	v1 =	vmin.f32 v4, v51;
	v4 =	vld [tilespmem:s21+$0xBBA8]  }
0x59: {  	[tilespmem:s21+$0x11BA8] =	vst v1;
	v1 =	vadd.f32 v3, v2;
	v2 =	vadd.f32 v54, v5;
	v3 =	vmul.f32 v54, v54  }
0x5a: {  	v56 =	vld [tilespmem:s21+$0xC1A8]  }
0x5b: {  	v1 =	vadd.f32 v3, v1;
	v2 =	vadd.f32 v55, v2;
	v3 =	vmul.f32 v55, v55  }
0x5c: {  	v58 =	vld [tilespmem:s21+$0xC7A8];
	v57 =	vmax.f32 v5, v54;
	v5 =	vmin.f32 v5, v54  }
0x5d: {  	v1 =	vadd.f32 v3, v1;
	v2 =	vadd.f32 v4, v2;
	v3 =	vmul.f32 v4, v4  }
0x5e: {  	v59 =	vld [tilespmem:s21+$0xCDA8];
	v8 =	vmax.f32 v57, v55;
	v5 =	vmin.f32 v5, v55  }
0x5f: {  	v1 =	vadd.f32 v3, v1;
	v2 =	vadd.f32 v56, v2;
	v3 =	vmul.f32 v56, v56  }
0x60: {  	v8 =	vmax.f32 v8, v4;
	v4 =	vmin.f32 v5, v4;
	v5 =	vld [tilespmem:s21+$0xD3A8]  }
0x61: {  	v60 =	vld [tilespmem:s21+$0xD9A8];
	v1 =	vadd.f32 v3, v1;
	v2 =	vadd.f32 v58, v2;
	v3 =	vmul.f32 v58, v58  }
0x62: {  	v8 =	vmax.f32 v8, v56  }
0x63: {  	v1 =	vadd.f32 v3, v1;
	v2 =	vadd.f32 v59, v2;
	v3 =	vmul.f32 v59, v59  }
0x64: {  	v4 =	vmin.f32 v4, v56;
	v8 =	vmax.f32 v8, v58  }
0x65: {  	v1 =	vadd.f32 v3, v1;
	v2 =	vadd.f32 v5, v2;
	v3 =	vmul.f32 v5, v5  }
0x66: {  	v63 =	vmul.f32 v60, v60;
	v4 =	vmin.f32 v4, v58;
	v61 =	vmax.f32 v8, v59  }
0x67: {  	v4 =	vmin.f32 v4, v59;
	v3 =	vadd.f32 v3, v1;
	v62 =	vadd.f32 v60, v2  }
0x68: {  	v4 =	vmin.f32 v4, v5;
	v1 =	vmax.f32 v61, v5  }
0x69: {  	s23 =	simm.s32 $0x10;
	s22 =	simm.s32 $0x80;
	v2 =	vmax.f32 v1, v60;
	v1 =	vmin.f32 v4, v60;
	v3 =	vadd.f32 v63, v3;
	[tilespmem:s21+$0x139A8] =	vst v62  }
.LBB2_5:
0x6a: {  	p0 =	sne.s32 s22, $0x17C0;
	v4 =	vld [tilespmem:s23+$0x7A8];
	[tilespmem:s21+$0x109A8] =	vst v2  }
0x6b: {  	v2 =	vld [tilespmem:s23+$0xDA8];
	[tilespmem:s21+$0x13FA8] =	vst v3  }
0x6c: {  	v3 =	vld [tilespmem:s23+$0x13FA8];
	[tilespmem:s21+$0x121A8] =	vst v1;
	s21 =	smov.u32 s23;
	_ =	sdelay $0x1  }
0x6d: {  	v1 =	vld [tilespmem:s21+$0x13A8]  }
0x6e: {  	v5 =	vmul.f32 v4, v4  }
0x6f: {  	v6 =	vmax.f32 v4, v2;
	v7 =	vmin.f32 v4, v2;
	v4 =	vadd.f32 v2, v4;
	v8 =	vld [tilespmem:s21+$0x19A8]  }
0x70: {  	v2 =	vmul.f32 v2, v2;
	v3 =	vadd.f32 v5, v3  }
0x71: {  	v5 =	vld [tilespmem:s21+$0x1FA8]  }
0x72: {  	v2 =	vadd.f32 v2, v3;
	v3 =	vadd.f32 v1, v4;
	v4 =	vmul.f32 v1, v1  }
0x73: {  	v6 =	vmax.f32 v6, v1;
	v1 =	vmin.f32 v7, v1;
	v7 =	vld [tilespmem:s21+$0x25A8]  }
0x74: {  	v2 =	vadd.f32 v4, v2;
	v3 =	vadd.f32 v8, v3;
	v4 =	vmul.f32 v8, v8  }
0x75: {  	v6 =	vmax.f32 v6, v8;
	v1 =	vmin.f32 v1, v8;
	v8 =	vld [tilespmem:s21+$0x2BA8]  }
0x76: {  	v2 =	vadd.f32 v4, v2;
	v3 =	vadd.f32 v5, v3;
	v4 =	vmul.f32 v5, v5  }
0x77: {  	v6 =	vmax.f32 v6, v5;
	v1 =	vmin.f32 v1, v5;
	v5 =	vld [tilespmem:s21+$0x31A8]  }
0x78: {  	v2 =	vadd.f32 v4, v2;
	v3 =	vadd.f32 v7, v3;
	v4 =	vmul.f32 v7, v7  }
0x79: {  	v6 =	vmax.f32 v6, v7;
	v1 =	vmin.f32 v1, v7;
	v7 =	vld [tilespmem:s21+$0x37A8]  }
0x7a: {  	v2 =	vadd.f32 v4, v2;
	v3 =	vadd.f32 v8, v3;
	v4 =	vmul.f32 v8, v8  }
0x7b: {  	v6 =	vmax.f32 v6, v8;
	v1 =	vmin.f32 v1, v8;
	v8 =	vld [tilespmem:s21+$0x3DA8]  }
0x7c: {  	v2 =	vadd.f32 v4, v2;
	v3 =	vadd.f32 v5, v3;
	v4 =	vmul.f32 v5, v5  }
0x7d: {  	v6 =	vmax.f32 v6, v5;
	v1 =	vmin.f32 v1, v5;
	v5 =	vld [tilespmem:s21+$0x43A8]  }
0x7e: {  	v2 =	vadd.f32 v4, v2;
	v3 =	vadd.f32 v7, v3;
	v4 =	vmul.f32 v7, v7  }
0x7f: {  	v6 =	vmax.f32 v6, v7;
	v1 =	vmin.f32 v1, v7;
	v7 =	vld [tilespmem:s21+$0x49A8]  }
0x80: {  	v2 =	vadd.f32 v4, v2;
	[tilespmem:s21+$0x127A8] =	vst v3;
	v3 =	vmul.f32 v8, v8  }
0x81: {  	[tilespmem:s21+$0xF7A8] =	vst v6;
	v4 =	vld [tilespmem:s21+$0x4FA8]  }
0x82: {  	[tilespmem:s21+$0x10FA8] =	vst v1;
	v1 =	vadd.f32 v3, v2;
	v2 =	vadd.f32 v5, v8;
	v3 =	vmul.f32 v5, v5  }
0x83: {  	v6 =	vmax.f32 v8, v5;
	v5 =	vmin.f32 v8, v5;
	v8 =	vld [tilespmem:s21+$0x55A8]  }
0x84: {  	v1 =	vadd.f32 v3, v1;
	v2 =	vadd.f32 v7, v2;
	v3 =	vmul.f32 v7, v7  }
0x85: {  	v6 =	vmax.f32 v6, v7;
	v5 =	vmin.f32 v5, v7;
	v7 =	vld [tilespmem:s21+$0x5BA8]  }
0x86: {  	v1 =	vadd.f32 v3, v1;
	v2 =	vadd.f32 v4, v2;
	v3 =	vmul.f32 v4, v4  }
0x87: {  	v6 =	vmax.f32 v6, v4;
	v4 =	vmin.f32 v5, v4;
	v5 =	vld [tilespmem:s21+$0x61A8]  }
0x88: {  	v1 =	vadd.f32 v3, v1;
	v2 =	vadd.f32 v8, v2;
	v3 =	vmul.f32 v8, v8  }
0x89: {  	v6 =	vmax.f32 v6, v8;
	v4 =	vmin.f32 v4, v8;
	v8 =	vld [tilespmem:s21+$0x67A8]  }
0x8a: {  	v1 =	vadd.f32 v3, v1;
	v2 =	vadd.f32 v7, v2;
	v3 =	vmul.f32 v7, v7  }
0x8b: {  	v6 =	vmax.f32 v6, v7;
	v4 =	vmin.f32 v4, v7;
	v7 =	vld [tilespmem:s21+$0x6DA8]  }
0x8c: {  	v1 =	vadd.f32 v3, v1;
	v2 =	vadd.f32 v5, v2;
	v3 =	vmul.f32 v5, v5  }
0x8d: {  	v6 =	vmax.f32 v6, v5;
	v4 =	vmin.f32 v4, v5;
	v5 =	vld [tilespmem:s21+$0x73A8]  }
0x8e: {  	v1 =	vadd.f32 v3, v1;
	v2 =	vadd.f32 v8, v2;
	v3 =	vmul.f32 v8, v8  }
0x8f: {  	v6 =	vmax.f32 v6, v8;
	v4 =	vmin.f32 v4, v8;
	v8 =	vld [tilespmem:s21+$0x79A8]  }
0x90: {  	v1 =	vadd.f32 v3, v1;
	v2 =	vadd.f32 v7, v2;
	v3 =	vmul.f32 v7, v7  }
0x91: {  	v6 =	vmax.f32 v6, v7;
	v4 =	vmin.f32 v4, v7;
	v7 =	vld [tilespmem:s21+$0x7FA8]  }
0x92: {  	v1 =	vadd.f32 v3, v1;
	[tilespmem:s21+$0x12DA8] =	vst v2;
	v2 =	vmul.f32 v5, v5  }
0x93: {  	[tilespmem:s21+$0xFDA8] =	vst v6;
	v3 =	vld [tilespmem:s21+$0x85A8]  }
0x94: {  	[tilespmem:s21+$0x115A8] =	vst v4;
	v1 =	vadd.f32 v2, v1;
	v2 =	vadd.f32 v8, v5;
	v4 =	vmul.f32 v8, v8  }
0x95: {  	v6 =	vmax.f32 v5, v8;
	v5 =	vmin.f32 v5, v8;
	v8 =	vld [tilespmem:s21+$0x8BA8]  }
0x96: {  	v1 =	vadd.f32 v4, v1;
	v2 =	vadd.f32 v7, v2;
	v4 =	vmul.f32 v7, v7  }
0x97: {  	v6 =	vmax.f32 v6, v7;
	v5 =	vmin.f32 v5, v7;
	v7 =	vld [tilespmem:s21+$0x91A8]  }
0x98: {  	v1 =	vadd.f32 v4, v1;
	v2 =	vadd.f32 v3, v2;
	v4 =	vmul.f32 v3, v3  }
0x99: {  	v6 =	vmax.f32 v6, v3;
	v3 =	vmin.f32 v5, v3;
	v5 =	vld [tilespmem:s21+$0x97A8]  }
0x9a: {  	v1 =	vadd.f32 v4, v1;
	v2 =	vadd.f32 v8, v2;
	v4 =	vmul.f32 v8, v8  }
0x9b: {  	v6 =	vmax.f32 v6, v8;
	v3 =	vmin.f32 v3, v8;
	v8 =	vld [tilespmem:s21+$0x9DA8]  }
0x9c: {  	v1 =	vadd.f32 v4, v1;
	v2 =	vadd.f32 v7, v2;
	v4 =	vmul.f32 v7, v7  }
0x9d: {  	v6 =	vmax.f32 v6, v7;
	v3 =	vmin.f32 v3, v7;
	v7 =	vld [tilespmem:s21+$0xA3A8]  }
0x9e: {  	v1 =	vadd.f32 v4, v1;
	v2 =	vadd.f32 v5, v2;
	v4 =	vmul.f32 v5, v5  }
0x9f: {  	v6 =	vmax.f32 v6, v5;
	v3 =	vmin.f32 v3, v5;
	v5 =	vld [tilespmem:s21+$0xA9A8]  }
0xa0: {  	v1 =	vadd.f32 v4, v1;
	v2 =	vadd.f32 v8, v2;
	v4 =	vmul.f32 v8, v8  }
0xa1: {  	v6 =	vmax.f32 v6, v8;
	v3 =	vmin.f32 v3, v8;
	v8 =	vld [tilespmem:s21+$0xAFA8]  }
0xa2: {  	v1 =	vadd.f32 v4, v1;
	v2 =	vadd.f32 v7, v2;
	v4 =	vmul.f32 v7, v7  }
0xa3: {  	v6 =	vmax.f32 v6, v7;
	v3 =	vmin.f32 v3, v7;
	v7 =	vld [tilespmem:s21+$0xB5A8]  }
0xa4: {  	v1 =	vadd.f32 v4, v1;
	[tilespmem:s21+$0x133A8] =	vst v2;
	v2 =	vmul.f32 v5, v5  }
0xa5: {  	[tilespmem:s21+$0x103A8] =	vst v6;
	v4 =	vld [tilespmem:s21+$0xBBA8]  }
0xa6: {  	[tilespmem:s21+$0x11BA8] =	vst v3;
	v1 =	vadd.f32 v2, v1;
	v2 =	vadd.f32 v8, v5;
	v3 =	vmul.f32 v8, v8  }
0xa7: {  	v6 =	vmax.f32 v5, v8;
	v5 =	vmin.f32 v5, v8;
	v8 =	vld [tilespmem:s21+$0xC1A8]  }
0xa8: {  	v1 =	vadd.f32 v3, v1;
	v2 =	vadd.f32 v7, v2;
	v3 =	vmul.f32 v7, v7  }
0xa9: {  	v6 =	vmax.f32 v6, v7;
	v5 =	vmin.f32 v5, v7;
	v7 =	vld [tilespmem:s21+$0xC7A8]  }
0xaa: {  	v1 =	vadd.f32 v3, v1;
	v2 =	vadd.f32 v4, v2;
	v3 =	vmul.f32 v4, v4  }
0xab: {  	v6 =	vmax.f32 v6, v4;
	v4 =	vmin.f32 v5, v4;
	v5 =	vld [tilespmem:s21+$0xCDA8]  }
0xac: {  	v1 =	vadd.f32 v3, v1;
	v2 =	vadd.f32 v8, v2;
	v3 =	vmul.f32 v8, v8  }
0xad: {  	v6 =	vmax.f32 v6, v8;
	v4 =	vmin.f32 v4, v8;
	v8 =	vld [tilespmem:s21+$0xD3A8]  }
0xae: {  	v1 =	vadd.f32 v3, v1;
	v2 =	vadd.f32 v7, v2;
	v3 =	vmul.f32 v7, v7  }
0xaf: {  	v6 =	vmax.f32 v6, v7;
	v4 =	vmin.f32 v4, v7;
	v7 =	vld [tilespmem:s21+$0xD9A8]  }
0xb0: {  	v1 =	vadd.f32 v3, v1;
	v2 =	vadd.f32 v5, v2;
	v3 =	vmul.f32 v5, v5  }
0xb1: {  	v6 =	vmax.f32 v6, v5;
	v4 =	vmin.f32 v4, v5  }
.Ltmp1:
0xb2: {  	v1 =	vadd.f32 v3, v1;
	v2 =	vadd.f32 v8, v2;
	v3 =	vmul.f32 v8, v8;
	(pc) =	sbr.rel @p0 .LBB2_5-.Ltmp1, $4  }
0xb3: {  	v5 =	vmax.f32 v6, v8;
	v4 =	vmin.f32 v4, v8  }
0xb4: {  	v3 =	vadd.f32 v3, v1;
	v6 =	vadd.f32 v7, v2;
	v8 =	vmul.f32 v7, v7  }
0xb5: {  	v2 =	vmax.f32 v5, v7;
	v1 =	vmin.f32 v4, v7  }
0xb6: {  	s23 =	sshra.s32 s22, $0x2;
	s22 =	sadd.s32 $0x40, s22;
	v3 =	vadd.f32 v8, v3;
	[tilespmem:s21+$0x139A8] =	vst v6  }
0xb7: {  	v4 =	vld [tilespmem:s23+$0x7A8];
	[tilespmem:s21+$0x109A8] =	vst v2  }
0xb8: {  	v2 =	vld [tilespmem:s23+$0xDA8];
	[tilespmem:s21+$0x13FA8] =	vst v3  }
0xb9: {  	v3 =	vld [tilespmem:s23+$0x13FA8]  }
0xba: {  	[tilespmem:s21+$0x121A8] =	vst v1  }
0xbb: {  	v1 =	vld [tilespmem:s23+$0x13A8]  }
0xbc: {  	v7 =	vmul.f32 v4, v4  }
0xbd: {  	v5 =	vld [tilespmem:s23+$0x19A8]  }
0xbe: {  	v57 =	vmul.f32 v2, v2;
	v3 =	vadd.f32 v7, v3  }
0xbf: {  	v8 =	vld [tilespmem:s23+$0x1FA8]  }
0xc0: {  	v58 =	vmul.f32 v1, v1;
	v3 =	vadd.f32 v57, v3  }
0xc1: {  	v9 =	vld [tilespmem:s23+$0x25A8]  }
0xc2: {  	v59 =	vmul.f32 v5, v5;
	v3 =	vadd.f32 v58, v3  }
0xc3: {  	v10 =	vld [tilespmem:s23+$0x2BA8]  }
0xc4: {  	v11 =	vld [tilespmem:s23+$0x31A8];
	v62 =	vmul.f32 v8, v8;
	v3 =	vadd.f32 v59, v3  }
0xc5: {  	v6 =	vadd.f32 v2, v4  }
0xc6: {  	v63 =	vld [tilespmem:s23+$0x37A8];
	v14 =	vmul.f32 v9, v9;
	v3 =	vadd.f32 v62, v3  }
0xc7: {  	v12 =	vmax.f32 v4, v2;
	v2 =	vmin.f32 v4, v2;
	v6 =	vadd.f32 v1, v6  }
0xc8: {  	v16 =	vld [tilespmem:s23+$0x3DA8];
	v61 =	vmax.f32 v12, v1;
	v15 =	vmul.f32 v10, v10;
	v3 =	vadd.f32 v14, v3  }
0xc9: {  	v1 =	vmin.f32 v2, v1;
	v18 =	vmul.f32 v11, v11;
	v2 =	vmax.f32 v61, v5  }
0xca: {  	v1 =	vmin.f32 v1, v5;
	v2 =	vmax.f32 v2, v8;
	v3 =	vadd.f32 v15, v3  }
0xcb: {  	v17 =	vld [tilespmem:s23+$0x43A8];
	v20 =	vmul.f32 v63, v63;
	v1 =	vmin.f32 v1, v8;
	v2 =	vmax.f32 v2, v9  }
0xcc: {  	v1 =	vmin.f32 v1, v9;
	v2 =	vmax.f32 v2, v10;
	v3 =	vadd.f32 v18, v3  }
0xcd: {  	v19 =	vld [tilespmem:s23+$0x49A8];
	v21 =	vmul.f32 v16, v16;
	v1 =	vmin.f32 v1, v10;
	v2 =	vmax.f32 v2, v11  }
0xce: {  	v1 =	vmin.f32 v1, v11;
	v2 =	vmax.f32 v2, v63;
	v3 =	vadd.f32 v20, v3  }
0xcf: {  	v1 =	vmin.f32 v1, v63;
	[tilespmem:s23+$0xF7A8] =	vst v2;
	v2 =	vld [tilespmem:s23+$0x4FA8]  }
0xd0: {  	v23 =	vmul.f32 v17, v17;
	[tilespmem:s23+$0x10FA8] =	vst v1;
	v1 =	vadd.f32 v17, v16;
	v3 =	vadd.f32 v21, v3  }
0xd1: {  	v22 =	vld [tilespmem:s23+$0x55A8]  }
0xd2: {  	v26 =	vmul.f32 v19, v19;
	v1 =	vadd.f32 v19, v1;
	v3 =	vadd.f32 v23, v3  }
0xd3: {  	v25 =	vld [tilespmem:s23+$0x5BA8]  }
0xd4: {  	v28 =	vld [tilespmem:s23+$0x61A8];
	v1 =	vadd.f32 v2, v1;
	v29 =	vmul.f32 v2, v2;
	v3 =	vadd.f32 v26, v3  }
0xd5: {  	v6 =	vadd.f32 v5, v6  }
0xd6: {  	v30 =	vld [tilespmem:s23+$0x67A8];
	v31 =	vmul.f32 v22, v22;
	v1 =	vadd.f32 v22, v1;
	v3 =	vadd.f32 v29, v3  }
0xd7: {  	v24 =	vmax.f32 v16, v17;
	v6 =	vadd.f32 v8, v6  }
0xd8: {  	v33 =	vld [tilespmem:s23+$0x6DA8];
	v34 =	vmul.f32 v25, v25;
	v1 =	vadd.f32 v25, v1;
	v3 =	vadd.f32 v31, v3  }
0xd9: {  	v36 =	vmul.f32 v28, v28;
	v27 =	vmax.f32 v24, v19;
	v60 =	vadd.f32 v9, v6  }
0xda: {  	v6 =	vmin.f32 v16, v17;
	v1 =	vadd.f32 v28, v1;
	v3 =	vadd.f32 v34, v3  }
0xdb: {  	v37 =	vld [tilespmem:s23+$0x73A8];
	v38 =	vmul.f32 v30, v30;
	v6 =	vmin.f32 v6, v19;
	v7 =	vmax.f32 v27, v2  }
0xdc: {  	v2 =	vmin.f32 v6, v2;
	v1 =	vadd.f32 v30, v1;
	v3 =	vadd.f32 v36, v3  }
0xdd: {  	v39 =	vld [tilespmem:s23+$0x79A8];
	v41 =	vmul.f32 v33, v33;
	v2 =	vmin.f32 v2, v22  }
0xde: {  	v2 =	vmin.f32 v2, v25;
	v1 =	vadd.f32 v33, v1;
	v3 =	vadd.f32 v38, v3  }
0xdf: {  	v40 =	vld [tilespmem:s23+$0x7FA8];
	v2 =	vmin.f32 v2, v28  }
0xe0: {  	[tilespmem:s23+$0x12DA8] =	vst v1;
	v1 =	vmin.f32 v2, v30;
	v2 =	vadd.f32 v41, v3;
	v3 =	vmul.f32 v37, v37  }
0xe1: {  	v42 =	vld [tilespmem:s23+$0x85A8];
	v1 =	vmin.f32 v1, v33  }
0xe2: {  	[tilespmem:s23+$0x115A8] =	vst v1;
	v1 =	vadd.f32 v39, v37;
	v2 =	vadd.f32 v3, v2;
	v3 =	vmul.f32 v39, v39  }
0xe3: {  	v43 =	vld [tilespmem:s23+$0x8BA8]  }
0xe4: {  	v1 =	vadd.f32 v40, v1;
	v2 =	vadd.f32 v3, v2;
	v3 =	vmul.f32 v40, v40  }
0xe5: {  	v44 =	vld [tilespmem:s23+$0x91A8];
	v4 =	vadd.f32 v10, v60  }
0xe6: {  	v1 =	vadd.f32 v42, v1;
	v2 =	vadd.f32 v3, v2;
	v3 =	vmul.f32 v42, v42  }
0xe7: {  	v45 =	vld [tilespmem:s23+$0x97A8];
	v4 =	vadd.f32 v11, v4;
	v6 =	vmin.f32 v37, v39  }
0xe8: {  	v1 =	vadd.f32 v43, v1;
	v2 =	vadd.f32 v3, v2;
	v3 =	vmul.f32 v43, v43  }
0xe9: {  	v46 =	vld [tilespmem:s23+$0x9DA8];
	v4 =	vadd.f32 v63, v4;
	v6 =	vmin.f32 v6, v40  }
0xea: {  	v1 =	vadd.f32 v44, v1;
	v2 =	vadd.f32 v3, v2;
	v3 =	vmul.f32 v44, v44  }
0xeb: {  	v49 =	vld [tilespmem:s23+$0xA3A8];
	[tilespmem:s23+$0x127A8] =	vst v4;
	v4 =	vmin.f32 v6, v42  }
0xec: {  	v1 =	vadd.f32 v45, v1;
	v2 =	vadd.f32 v3, v2;
	v3 =	vmul.f32 v45, v45  }
0xed: {  	v52 =	vld [tilespmem:s23+$0xA9A8];
	v4 =	vmin.f32 v4, v43  }
0xee: {  	v1 =	vadd.f32 v46, v1;
	v2 =	vadd.f32 v3, v2;
	v3 =	vmul.f32 v46, v46  }
0xef: {  	v53 =	vld [tilespmem:s23+$0xAFA8];
	v4 =	vmin.f32 v4, v44  }
0xf0: {  	v1 =	vadd.f32 v49, v1;
	v2 =	vadd.f32 v3, v2;
	v3 =	vmul.f32 v49, v49  }
0xf1: {  	v54 =	vld [tilespmem:s23+$0xB5A8];
	v47 =	vmax.f32 v37, v39;
	v4 =	vmin.f32 v4, v45  }
0xf2: {  	v55 =	vld [tilespmem:s23+$0xBBA8];
	[tilespmem:s23+$0x133A8] =	vst v1;
	v1 =	vmin.f32 v4, v46;
	v2 =	vadd.f32 v3, v2;
	v3 =	vmul.f32 v52, v52  }
0xf3: {  	v56 =	vld [tilespmem:s23+$0xC1A8];
	v48 =	vmax.f32 v47, v40;
	v1 =	vmin.f32 v1, v49  }
0xf4: {  	v50 =	vmax.f32 v48, v42;
	[tilespmem:s23+$0x11BA8] =	vst v1;
	v1 =	vadd.f32 v3, v2;
	v3 =	vmul.f32 v53, v53  }
0xf5: {  	v57 =	vmax.f32 v52, v53;
	v51 =	vmax.f32 v50, v43;
	v58 =	vld [tilespmem:s23+$0xC7A8];
	v2 =	vadd.f32 v53, v52  }
0xf6: {  	v8 =	vmax.f32 v57, v54;
	v1 =	vadd.f32 v3, v1;
	v3 =	vmul.f32 v54, v54  }
0xf7: {  	v60 =	vmax.f32 v8, v55;
	v32 =	vmax.f32 v7, v22;
	v2 =	vadd.f32 v54, v2  }
0xf8: {  	v7 =	vmax.f32 v60, v56;
	v1 =	vadd.f32 v3, v1;
	v3 =	vmul.f32 v55, v55  }
0xf9: {  	v59 =	vld [tilespmem:s23+$0xCDA8];
	v35 =	vmax.f32 v32, v25;
	v6 =	vmax.f32 v51, v44;
	v2 =	vadd.f32 v55, v2  }
0xfa: {  	v63 =	vmax.f32 v7, v58;
	v1 =	vadd.f32 v3, v1;
	v3 =	vmul.f32 v56, v56  }
0xfb: {  	v61 =	vld [tilespmem:s23+$0xD3A8];
	v5 =	vmax.f32 v35, v28;
	v6 =	vmax.f32 v6, v45;
	v2 =	vadd.f32 v56, v2  }
0xfc: {  	v5 =	vmax.f32 v5, v30;
	v1 =	vadd.f32 v3, v1;
	v3 =	vmul.f32 v58, v58  }
0xfd: {  	v62 =	vld [tilespmem:s23+$0xD9A8];
	v6 =	vmax.f32 v6, v46;
	v5 =	vmax.f32 v5, v33;
	v2 =	vadd.f32 v58, v2  }
0xfe: {  	[tilespmem:s23+$0xFDA8] =	vst v5;
	v5 =	vmin.f32 v52, v53;
	v1 =	vadd.f32 v3, v1;
	v3 =	vmul.f32 v59, v59  }
0xff: {  	v6 =	vmax.f32 v6, v49;
	v5 =	vmin.f32 v5, v54;
	v2 =	vadd.f32 v59, v2  }
0x100: {  	v4 =	vmin.f32 v5, v55;
	v1 =	vadd.f32 v3, v1;
	v3 =	vmul.f32 v61, v61  }
0x101: {  	v5 =	vmax.f32 v63, v59;
	v4 =	vmin.f32 v4, v56;
	v2 =	vadd.f32 v61, v2  }
0x102: {  	v5 =	vmax.f32 v5, v61;
	v1 =	vadd.f32 v3, v1;
	v3 =	vmul.f32 v62, v62  }
0x103: {  	[tilespmem:s23+$0x103A8] =	vst v6;
	v4 =	vmin.f32 v4, v58;
	v5 =	vmax.f32 v5, v62;
	v2 =	vadd.f32 v62, v2  }
0x104: {  	s30 =	sadd.s32 s8, s20;
	v4 =	vmin.f32 v4, v59;
	[tilespmem:s23+$0x109A8] =	vst v5;
	v1 =	vadd.f32 v3, v1  }
0x105: {  	s21 =	smul.u32 $0x300, s30;
	[tilespmem:s23+$0x139A8] =	vst v2;
	v2 =	vmin.f32 v4, v61  }
0x106: {  	v2 =	vmin.f32 v2, v62;
	[tilespmem:s23+$0x13FA8] =	vst v1  }
0x107: {  	s22 =	sadd.s32 s4, s21;
	[tilespmem:s23+$0x121A8] =	vst v2  }
0x108: {  	[hbm4b:s22+s2] =	stream.linear.scatter [tilespmem:s15], [sflag:$0x2], $0x1800, $0x38;
	[tilespmem:$0x145A8] =	vst v63  }
0x109: {  	_ =	swait.ge [sflag:s11], $0x1800  }
0x10a: {  	[sflag:s11] =	ssyncset.done $0x0  }
0x10b: {  	s31 =	sadd.s32 s5, s21;
	[sflag:s11] =	ssyncadd.s32 $0xFFFFE800  }
0x10c: {  	[hbm4b:s31+s2] =	stream.linear.scatter [tilespmem:s16], [sflag:$0x2], $0x1800, $0x38;
	[tilespmem:$0x145A8] =	vst v63  }
0x10d: {  	s20 =	sadd.s32 $0x1, s20;
	_ =	swait.ge [sflag:s11], $0x1800  }
0x10e: {  	p0 =	sne.s32 s20, $0x31;
	[sflag:s11] =	ssyncset.done $0x0  }
.Ltmp2:
0x10f: {  	s21 =	sadd.s32 s6, s21;
	[sflag:s11] =	ssyncadd.s32 $0xFFFFE800;
	(pc) =	sbr.rel @p0 .LBB2_4-.Ltmp2, $4  }
0x110: {  	[hbm4b:s21+s2] =	stream.linear.scatter [tilespmem:s17], [sflag:$0x2], $0x1800, $0x38;
	[tilespmem:$0x145A8] =	vst v63  }
0x111: {  	_ =	swait.ge [sflag:s11], $0x1800  }
0x112: {  	[sflag:s11] =	ssyncset.done $0x0  }
0x113: {  	[sflag:s11] =	ssyncadd.s32 $0xFFFFE800  }
0x114: {  	s19 =	sadd.s32 $0x1, s19  }
0x115: {  	p0 =	sne.s32 s19, s10  }
.Ltmp3:
0x116: {  	_ = 	snop;
	(pc) =	sbr.rel @p0 .LBB2_1-.Ltmp3, $4  }
0x117: {  	[hbm4b:s9+s2] =	stream.linear.scatter [tilespmem:s18], [sflag:$0x2], $0x600, $0x38;
	[tilespmem:$0x145A8] =	vst v63  }
0x118: {  	_ =	swait.ge [sflag:s11], $0x600  }
0x119: {  	[sflag:s11] =	ssyncset.done $0x0  }
0x11a: {  	[sflag:s11] =	ssyncadd.s32 $0xFFFFFA00  }
0x11b: {  	_ =	sfence.sel $0x180000  }
0x11c: {  	[bflag:$0x0] =	sbarrier.arrive $0xFFFF  }
0x11d: {  	p0 =	sne.s32 s0, $0x0;
	_ =	strace $0x90000047  }
0x11e: {  	s0 =	sadd.s32 @!p0 $0x100000, s1;
	[bflag:$0x2] =	sbarrier.arrive $0xFFFF  }
0x11f: {  	[sflag:s0] =	ssyncadd.tile.s32 @!p0 $0x1;
	_ =	shalt  }
.Lfunc_end2:
_tile_overlayer_lowered:
.L_overlay_start_2:
0x120: {  	(tag) =	ssettag $0x2  }
0x121: {  	s0 =	rddreg [dreg:$0x0];
	s2 =	stileid.u32  }
0x122: {  	s1 =	rddreg [dreg:$0x1];
	p0 =	sne.s32 s2, $0x0  }
0x123: {  	s3 =	rddreg [dreg:$0x2];
	[bflag:$0x3] =	sbarrier.arrive $0xFFFF;
	s2 =	simm.s32 @!p0 $0x1C02  }
0x124: {  	[timem:s3], [sflag:s2] =	dma.local @!p0 [hbm:s0], s1  }
0x125: {  	s0 =	simm.s32 @!p0 $0x2  }
0x126: {  	_ =	swait.ge @!p0 [sflag:s0], s1  }
0x127: {  	s1 =	ssub.s32 @!p0 $0x0, s1;
	[sflag:s0] =	ssyncset.done @!p0 $0x0  }
0x128: {  	[sflag:s0] =	ssyncadd.s32 @!p0 s1  }
0x129: {  	[bflag:$0x3] =	sbarrier.arrive $0xFFFF  }
0x12a: {  	_ =	shalt  }

</sc_bundles>
